<compile_context>
chip_gen: v7x
topology: tpu7x:2x2x1
jax: 0.10.2.dev20260603
libtpu: 0.0.44.dev20260713+nightly
codegen_flags: <defaults>
</compile_context>

<pallas_src>
import functools

import jax
import jax.numpy as jnp
import numpy as np
from jax import lax
from jax.experimental import pallas as pl
from jax.experimental.pallas import tpu as pltpu
from jax.experimental.pallas import tpu_sc as plsc

N = 10000
E = 160000
NS = 16
NV = 4
F = 48
CH = 128
NCHUNK = E // CH
NCHUNK_PAD = 1280
NW = 32
EB = 4000
GRID = E // EB
INV = 0.25
NACC = 10240

_P0 = np.arange(256).reshape(16, 16).T.flatten()
_P1 = (4 * (np.arange(64) % 16) + np.arange(64) // 16)
_c = np.arange(256)
_Q16 = np.zeros((256, 16), np.float32)
_Q16[_c, _c // 16] = INV
_c4 = np.arange(64)
_Q4RT = np.zeros((64, 16), np.float32)
for _j in range(NV):
    for _i in range(NS):
        for _m in range(3):
            _Q4RT[16 * _j + _i, 3 * _j + _m] = INV
_TILE_IDX = np.arange(256) % 16
_SB = np.zeros((16, 32), np.float32)
_SB[0, :16] = 1.0
for _j in range(NV):
    for _m in range(3):
        _SB[1 + _m, 16 + 3 * _j + _m] = 1.0

@functools.lru_cache(maxsize=1)
def _sc_mesh():
    return plsc.VectorSubcoreMesh(
        core_axis_name="c", subcore_axis_name="s", num_cores=2, num_subcores=16)


def _worker_range(w):
    base = pl.multiple_of(40 * w, 8)
    nch = jnp.where(w == 31, 10, 40)
    return base, nch


def _sc_gather(node_attr, dst2):

    @functools.partial(
        pl.kernel,
        out_type=jax.ShapeDtypeStruct((E, NS), jnp.float32),
        mesh=_sc_mesh(),
        compiler_params=pltpu.CompilerParams(use_tc_tiling_on_sc=False),
        scratch_types=[
            pltpu.VMEM((40, CH), jnp.int32),
            pltpu.VMEM((40 * CH, NS), jnp.float32),
            pltpu.SemaphoreType.DMA,
        ],
    )
    def k(node_hbm, idx_hbm, out_hbm, idx_v, rows_v, sem):
        w = lax.axis_index("s") * 2 + lax.axis_index("c")
        base, nch = _worker_range(w)
        pltpu.sync_copy(idx_hbm.at[pl.ds(base, 40)], idx_v)

        def fire(j, carry):
            r = pl.multiple_of(j * CH, 8)
            pltpu.async_copy(node_hbm.at[idx_v.at[j]],
                             rows_v.at[pl.ds(r, CH)], sem)
            return carry

        lax.fori_loop(0, nch, fire, 0)

        def drain(j, carry):
            r = pl.multiple_of(j * CH, 8)
            pltpu.make_async_copy(node_hbm.at[idx_v.at[j]],
                                  rows_v.at[pl.ds(r, CH)], sem).wait()
            return carry

        lax.fori_loop(0, nch, drain, 0)
        rbase = pl.multiple_of(base * CH, 8)

        @pl.when(w < 31)
        def _():
            pltpu.sync_copy(rows_v, out_hbm.at[pl.ds(rbase, 40 * CH)])

        @pl.when(w == 31)
        def _():
            pltpu.sync_copy(rows_v.at[pl.ds(0, 10 * CH)],
                            out_hbm.at[pl.ds(rbase, 10 * CH)])

    return k(node_attr, dst2)


def _tc_compute(ea, shp, xg, W1, b1, W2a, b2a, W2b, b2b):
    consts = (jnp.asarray(_Q16), jnp.asarray(_Q4RT), jnp.asarray(_SB[:9]))

    def body(ea_ref, shp_ref, xg_ref, W1_ref, b1_ref, W2a_ref, b2a_ref,
             W2b_ref, b2b_ref, Q16_ref, Q4RT_ref, SB_ref, o_ref):
        dot = lambda a, b: lax.dot(a, b)

        a = jnp.maximum(dot(ea_ref[...], W1_ref[...]) + b1_ref[...], 0.0)
        h0p = dot(a, W2a_ref[...]) + b2a_ref[...]
        h1p = dot(a, W2b_ref[...]) + b2b_ref[...]
        xgv = xg_ref[...]
        shv = shp_ref[...]
        tidx = lax.broadcasted_iota(jnp.int32, (EB, 256), 1) % 16
        xt16 = jnp.take_along_axis(xgv, tidx, axis=1)
        pre0 = dot(xt16 * h0p, Q16_ref[...])
        tb = dot(xt16[:, :64] * h1p, Q4RT_ref[...])
        shall = dot(shv, SB_ref[...])
        lanes = lax.broadcasted_iota(jnp.int32, (EB, 32), 1)
        cnt = jnp.where(lanes == 28, 1.0, 0.0)
        o_ref[...] = jnp.concatenate([pre0, tb], axis=1) * shall + cnt

    whole = lambda shape: pl.BlockSpec(shape, lambda i: (0,) * len(shape))
    row = lambda width: pl.BlockSpec((EB, width), lambda i: (i, 0))
    return pl.pallas_call(
        body,
        grid=(GRID,),
        in_specs=[
            row(F), row(9), row(NS),
            whole((F, F)), whole((1, F)), whole((F, 256)), whole((1, 256)),
            whole((F, 64)), whole((1, 64)),
            whole((256, 16)), whole((64, 16)), whole((9, 32)),
        ],
        out_specs=pl.BlockSpec((EB, 32), lambda i: (i, 0)),
        out_shape=jax.ShapeDtypeStruct((E, 32), jnp.float32),
    )(ea, shp, xg, W1, b1, W2a, b2a, W2b, b2b, *consts)


def _sc_scatter(tp3, src2, zrows):

    @functools.partial(
        pl.kernel,
        out_type=jax.ShapeDtypeStruct((2, NACC, 32), jnp.float32),
        mesh=_sc_mesh(),
        compiler_params=pltpu.CompilerParams(use_tc_tiling_on_sc=False),
        scratch_types=[
            pltpu.VMEM((40, CH), jnp.int32),
            pltpu.VMEM((CH, 32), jnp.float32),
            pltpu.VMEM_SHARED((NACC, 32), jnp.float32),
            pltpu.SemaphoreType.DMA,
        ],
    )
    def k(tp_hbm, idx_hbm, z_hbm, out_hbm, idx_v, rows_v, acc, sem):
        cid = lax.axis_index("c")
        sid = lax.axis_index("s")
        w = sid * 2 + cid
        base, nch = _worker_range(w)
        arow = pl.multiple_of(sid * (NACC // 16), 8)
        pltpu.sync_copy(z_hbm, acc.at[pl.ds(arow, NACC // 16)])
        plsc.subcore_barrier()
        pltpu.sync_copy(idx_hbm.at[pl.ds(base, 40)], idx_v)

        def body(j, carry):
            r = pl.multiple_of((base + j) * CH, 8)
            pltpu.sync_copy(tp_hbm.at[pl.ds(r, CH)], rows_v)
            pltpu.sync_copy(rows_v, acc.at[idx_v.at[j]], add=True)
            return carry

        lax.fori_loop(0, nch, body, 0)
        plsc.subcore_barrier()
        pltpu.sync_copy(acc.at[pl.ds(arow, NACC // 16)],
                        out_hbm.at[cid, pl.ds(arow, NACC // 16)])

    return k(tp3, src2, zrows)


def _tc_combine(parts):
    def body(p_ref, o_ref):
        p = p_ref[...]
        s = p[0] + p[1]
        cnt = jnp.maximum(s[:N, 28:29], 1.0)
        o_ref[...] = s[:N, :28] / cnt

    return pl.pallas_call(
        body,
        in_specs=[pl.BlockSpec((2, NACC, 32), lambda: (0, 0, 0))],
        out_specs=pl.BlockSpec((N, 28), lambda: (0, 0)),
        out_shape=jax.ShapeDtypeStruct((N, 28), jnp.float32),
    )(parts)


def kernel(node_attr, edge_index, edge_attr, edge_sh, W1, b1, W2, b2):
    edge_src = edge_index[0]
    edge_dst = edge_index[1]
    pad = NCHUNK_PAD * CH - E
    dst2 = jnp.pad(edge_dst, (0, pad)).reshape(NCHUNK_PAD, CH)
    src2 = jnp.pad(edge_src, (0, pad)).reshape(NCHUNK_PAD, CH)
    xg = _sc_gather(node_attr, dst2)
    W2a = W2[:, :256][:, _P0]
    b2a = b2[:256][_P0]
    W2b = W2[:, 256:][:, _P1]
    b2b = b2[256:][_P1]
    tp = _tc_compute(
        edge_attr, edge_sh, xg, W1, b1.reshape(1, F),
        W2a, b2a.reshape(1, 256), W2b, b2b.reshape(1, 64))
    parts = _sc_scatter(tp, src2,
                        jnp.zeros((NACC // 16, 32), jnp.float32))
    return _tc_combine(parts)

# --- scband reference (transcript-rebuilt; emitter-appended) ---
"""Pipeline reference for scband-tensor-product-score-model-71536975282766 (READ-ONLY COPY).

The authoritative reference and input builder live on the scoring server;
editing this copy changes nothing except your own understanding.
"""

import jax, jax.numpy as jnp
import numpy as np

N = 10000
E = 160000
NS = 16
NV = 4
N_EDGE_FEAT = 3 * NS  # 48
WEIGHT_NUMEL = NS * NS + NS * NV  # 320


def setup_inputs(seed: int = 0) -> dict:
    key = jax.random.key(seed)
    ks = jax.random.split(key, 8)
    node_attr = jax.random.normal(ks[0], (N, NS), dtype=jnp.float32)
    edge_index = jax.random.randint(ks[1], (2, E), 0, N, dtype=jnp.int32)
    edge_attr = jax.random.normal(ks[2], (E, N_EDGE_FEAT), dtype=jnp.float32)
    edge_sh = jax.random.normal(ks[3], (E, 9), dtype=jnp.float32)
    # fc: Linear(48 -> 48), ReLU, Linear(48 -> tp.weight_numel)
    W1 = jax.random.normal(ks[4], (N_EDGE_FEAT, N_EDGE_FEAT), dtype=jnp.float32) / jnp.sqrt(N_EDGE_FEAT)
    b1 = jnp.zeros((N_EDGE_FEAT,), dtype=jnp.float32)
    W2 = jax.random.normal(ks[5], (N_EDGE_FEAT, WEIGHT_NUMEL), dtype=jnp.float32) / jnp.sqrt(N_EDGE_FEAT)
    b2 = jnp.zeros((WEIGHT_NUMEL,), dtype=jnp.float32)
    return {"node_attr": node_attr, "edge_index": edge_index, "edge_attr": edge_attr,
            "edge_sh": edge_sh, "W1": W1, "b1": b1, "W2": W2, "b2": b2}


def reference(node_attr, edge_index, edge_attr, edge_sh, W1, b1, W2, b2):
    # TensorProductConvLayer.forward: the core message-passing op of TensorProductScoreModel.
    # FullyConnectedTensorProduct(in=16x0e, sh=0e+1o+2e, out=16x0e+4x1o, shared_weights=False)
    # expanded into explicit per-edge einsum paths: 0e*0e->0e and 0e*1o->1o
    # (0e*2e has no matching output irrep, so the 2e block of edge_sh contributes no path).
    ns = node_attr.shape[1]
    nv = NV
    e = edge_attr.shape[0]
    edge_src = edge_index[0]
    edge_dst = edge_index[1]
    # per-edge tensor-product weights from edge features
    h = jax.nn.relu(edge_attr @ W1 + b1) @ W2 + b2  # [E, weight_numel]
    w0 = h[:, : ns * ns].reshape(e, ns, ns)          # path 0e x 0e -> 0e
    w1 = h[:, ns * ns :].reshape(e, ns, nv)          # path 0e x 1o -> 1o
    # gather node features at destination nodes
    xg = jnp.take(node_attr, edge_dst, axis=0)       # [E, ns]
    sh0 = edge_sh[:, 0:1]                            # l=0 component
    sh1 = edge_sh[:, 1:4]                            # l=1 components
    # e3nn path normalization ~ 1/sqrt(fan_in) with fan_in = mul_in = ns
    inv = 1.0 / jnp.sqrt(jnp.asarray(ns, dtype=jnp.float32))
    out0 = jnp.einsum('ei,eij->ej', xg * sh0, w0) * inv          # [E, ns]
    out1 = jnp.einsum('ei,em,eij->ejm', xg, sh1, w1) * inv       # [E, nv, 3]
    tp = jnp.concatenate([out0, out1.reshape(e, nv * 3)], axis=-1)  # [E, 28]
    # scatter(tp, edge_src, dim_size=N, reduce='mean')
    n = node_attr.shape[0]
    sums = jnp.zeros((n, tp.shape[1]), dtype=tp.dtype).at[edge_src].add(tp)
    counts = jnp.zeros((n,), dtype=tp.dtype).at[edge_src].add(1.0)
    out = sums / jnp.clip(counts, 1.0)[:, None]
    return out

if __name__ == "__main__":
    import jax
    _d = setup_inputs()
    print(jax.jit(kernel)(*tuple(_d.values())))

</pallas_src>

<mosaic_0001>
#map = affine_map<(d0, d1) -> (0, 0)>
#map1 = affine_map<(d0, d1) -> (0, 0, 0)>
module attributes {stable_mosaic.version = 14 : i64} {
  func.func @k(%arg0: i32, %arg1: i32, %arg2: memref<160000x32xf32, #tpu.memory_space<hbm>>, %arg3: memref<1280x128xi32, #tpu.memory_space<hbm>>, %arg4: memref<640x32xf32, #tpu.memory_space<hbm>>, %arg5: memref<2x10240x32xf32, #tpu.memory_space<hbm>>, %arg6: memref<40x128xi32, #tpu.memory_space<vmem>>, %arg7: memref<128x32xf32, #tpu.memory_space<vmem>>, %arg8: memref<10240x32xf32, #tpu.memory_space<vmem_shared>>, %arg9: memref<!tpu.dma_semaphore, #tpu.memory_space<semaphore_mem>>) attributes {dimension_semantics = [#tpu.dimension_semantics<core_parallel>, #tpu.dimension_semantics<subcore_parallel>], iteration_bounds = array<i64: 2, 16>, scalar_prefetch = 0 : i64, scratch_operands = 4 : i64, tpu.core_type = #tpu.core_type<sc_vector_subcore>, window_params = [{transform_indices = #map}, {transform_indices = #map}, {transform_indices = #map}, {transform_indices = #map1}]} {
    %mul3A = arith.constant 2 : i32
    %mul3A_0 = arith.muli %arg1, %mul3A : i32
    %add3A = arith.addi %mul3A_0, %arg0 : i32
    %mul3A_1 = arith.constant 40 : i32
    %mul3A_2 = arith.muli %mul3A_1, %add3A : i32
    %multiple_of3A = tpu.assume_multiple %mul3A_2, 8 : i32
    %eq3A = arith.constant 31 : i32
    %eq3A_3 = arith.cmpi eq, %add3A, %eq3A : i32
    %jit3A = arith.constant 10 : i32
    %jit3A_4 = arith.constant 40 : i32
    %select_n3A = arith.select %eq3A_3, %jit3A, %jit3A_4 : i32
    %mul3A_5 = arith.constant 640 : i32
    %mul3A_6 = arith.muli %arg1, %mul3A_5 : i32
    %multiple_of3A_7 = tpu.assume_multiple %mul3A_6, 8 : i32
    "tpu.region"() ({
      %run_scoped3A = tpu.sem_alloc : memref<!tpu.dma_semaphore, #tpu.memory_space<semaphore_mem>>
      %dma_start3A = arith.constant 0 : i32
      %dma_start3A_18 = tpu.memref_slice %arg8[%multiple_of3A_7, %dma_start3A] : memref<10240x32xf32, #tpu.memory_space<vmem_shared>> -> memref<640x32xf32, #tpu.memory_space<vmem_shared>>
      tpu.enqueue_dma source(%arg4 : memref<640x32xf32, #tpu.memory_space<hbm>>) target(%dma_start3A_18 : memref<640x32xf32, #tpu.memory_space<vmem_shared>>) target_semaphore(%run_scoped3A : memref<!tpu.dma_semaphore, #tpu.memory_space<semaphore_mem>>)
      %dma_wait3A = arith.constant 0 : i32
      %dma_wait3A_19 = tpu.memref_slice %arg8[%multiple_of3A_7, %dma_wait3A] : memref<10240x32xf32, #tpu.memory_space<vmem_shared>> -> memref<640x32xf32, #tpu.memory_space<vmem_shared>>
      tpu.wait_dma2 semaphore(%run_scoped3A : memref<!tpu.dma_semaphore, #tpu.memory_space<semaphore_mem>>) src(%arg4 : memref<640x32xf32, #tpu.memory_space<hbm>>) dst(%dma_wait3A_19 : memref<640x32xf32, #tpu.memory_space<vmem_shared>>)
      tpu.yield
    }) : () -> ()
    %barrier3A = arith.constant 0 : index
    tpu.barrier barrier_id(%barrier3A)
    "tpu.region"() ({
      %run_scoped3A = tpu.sem_alloc : memref<!tpu.dma_semaphore, #tpu.memory_space<semaphore_mem>>
      %dma_start3A = arith.constant 0 : i32
      %dma_start3A_18 = tpu.memref_slice %arg3[%multiple_of3A, %dma_start3A] : memref<1280x128xi32, #tpu.memory_space<hbm>> -> memref<40x128xi32, #tpu.memory_space<hbm>>
      %dma_start3A_19 = arith.constant 0 : i32
      %dma_start3A_20 = tpu.memref_slice %arg3[%multiple_of3A, %dma_start3A_19] : memref<1280x128xi32, #tpu.memory_space<hbm>> -> memref<40x128xi32, #tpu.memory_space<hbm>>
      tpu.enqueue_dma source(%dma_start3A_20 : memref<40x128xi32, #tpu.memory_space<hbm>>) target(%arg6 : memref<40x128xi32, #tpu.memory_space<vmem>>) target_semaphore(%run_scoped3A : memref<!tpu.dma_semaphore, #tpu.memory_space<semaphore_mem>>)
      %dma_wait3A = arith.constant 0 : i32
      %dma_wait3A_21 = tpu.memref_slice %arg3[%multiple_of3A, %dma_wait3A] : memref<1280x128xi32, #tpu.memory_space<hbm>> -> memref<40x128xi32, #tpu.memory_space<hbm>>
      %dma_wait3A_22 = arith.constant 0 : i32
      %dma_wait3A_23 = tpu.memref_slice %arg3[%multiple_of3A, %dma_wait3A_22] : memref<1280x128xi32, #tpu.memory_space<hbm>> -> memref<40x128xi32, #tpu.memory_space<hbm>>
      tpu.wait_dma2 semaphore(%run_scoped3A : memref<!tpu.dma_semaphore, #tpu.memory_space<semaphore_mem>>) src(%dma_wait3A_23 : memref<40x128xi32, #tpu.memory_space<hbm>>) dst(%arg6 : memref<40x128xi32, #tpu.memory_space<vmem>>)
      tpu.yield
    }) : () -> ()
    %while3A = arith.constant 0 : i32
    %while3A_8 = arith.constant 0 : i32
    %while3A_9 = arith.subi %select_n3A, %while3A_8 : i32
    %while3A_10 = arith.addi %while3A_8, %while3A_9 : i32
    %while3A_11 = arith.constant 1 : i32
    %while3A_12 = arith.divsi %while3A_9, %while3A_11 : i32
    %while3A_13 = arith.muli %while3A_12, %while3A_11 : i32
    %while3A_14 = arith.addi %while3A_8, %while3A_13 : i32
    %while3A_15 = arith.constant 1 : i32
    scf.for %while3A_18 = %while3A_8 to %while3A_14 step %while3A_15  : i32 {
      %add3A_19 = arith.addi %multiple_of3A, %while3A_18 : i32
      %mul3A_20 = arith.constant 128 : i32
      %mul3A_21 = arith.muli %add3A_19, %mul3A_20 : i32
      %multiple_of3A_22 = tpu.assume_multiple %mul3A_21, 8 : i32
      "tpu.region"() ({
        %run_scoped3A = tpu.sem_alloc : memref<!tpu.dma_semaphore, #tpu.memory_space<semaphore_mem>>
        %dma_start3A = arith.constant 0 : i32
        %dma_start3A_23 = tpu.memref_slice %arg2[%multiple_of3A_22, %dma_start3A] : memref<160000x32xf32, #tpu.memory_space<hbm>> -> memref<128x32xf32, #tpu.memory_space<hbm>>
        %dma_start3A_24 = arith.constant 0 : i32
        %dma_start3A_25 = tpu.memref_slice %arg2[%multiple_of3A_22, %dma_start3A_24] : memref<160000x32xf32, #tpu.memory_space<hbm>> -> memref<128x32xf32, #tpu.memory_space<hbm>>
        tpu.enqueue_dma source(%dma_start3A_25 : memref<128x32xf32, #tpu.memory_space<hbm>>) target(%arg7 : memref<128x32xf32, #tpu.memory_space<vmem>>) target_semaphore(%run_scoped3A : memref<!tpu.dma_semaphore, #tpu.memory_space<semaphore_mem>>)
        %dma_wait3A = arith.constant 0 : i32
        %dma_wait3A_26 = tpu.memref_slice %arg2[%multiple_of3A_22, %dma_wait3A] : memref<160000x32xf32, #tpu.memory_space<hbm>> -> memref<128x32xf32, #tpu.memory_space<hbm>>
        %dma_wait3A_27 = arith.constant 0 : i32
        %dma_wait3A_28 = tpu.memref_slice %arg2[%multiple_of3A_22, %dma_wait3A_27] : memref<160000x32xf32, #tpu.memory_space<hbm>> -> memref<128x32xf32, #tpu.memory_space<hbm>>
        tpu.wait_dma2 semaphore(%run_scoped3A : memref<!tpu.dma_semaphore, #tpu.memory_space<semaphore_mem>>) src(%dma_wait3A_28 : memref<128x32xf32, #tpu.memory_space<hbm>>) dst(%arg7 : memref<128x32xf32, #tpu.memory_space<vmem>>)
        tpu.yield
      }) : () -> ()
      "tpu.region"() ({
        %run_scoped3A = tpu.sem_alloc : memref<!tpu.dma_semaphore, #tpu.memory_space<semaphore_mem>>
        %dma_start3A = arith.constant 0 : i32
        %dma_start3A_23 = tpu.memref_slice %arg6[%while3A_18, %dma_start3A] : memref<40x128xi32, #tpu.memory_space<vmem>> -> memref<1x128xi32, #tpu.memory_space<vmem>>
        %dma_start3A_24 = tpu.memref_squeeze %dma_start3A_23 : memref<1x128xi32, #tpu.memory_space<vmem>> -> memref<128xi32, #tpu.memory_space<vmem>>
        %dma_start3A_25 = arith.constant 0 : i32
        %dma_start3A_26 = arith.constant 0 : i32
        %dma_start3A_27 = tpu.memref_slice %arg8[%dma_start3A_25, %dma_start3A_26] : memref<10240x32xf32, #tpu.memory_space<vmem_shared>> -> memref<10240x32xf32, #tpu.memory_space<vmem_shared>>
        tpu.enqueue_indirect_dma source(%arg7 : memref<128x32xf32, #tpu.memory_space<vmem>>) target(%dma_start3A_27 : memref<10240x32xf32, #tpu.memory_space<vmem_shared>>) offsets(%dma_start3A_24 : memref<128xi32, #tpu.memory_space<vmem>>) semaphore(%run_scoped3A : memref<!tpu.dma_semaphore, #tpu.memory_space<semaphore_mem>>) {add = true}
        %dma_wait3A = arith.constant 0 : i32
        %dma_wait3A_28 = tpu.memref_slice %arg6[%while3A_18, %dma_wait3A] : memref<40x128xi32, #tpu.memory_space<vmem>> -> memref<1x128xi32, #tpu.memory_space<vmem>>
        %dma_wait3A_29 = tpu.memref_squeeze %dma_wait3A_28 : memref<1x128xi32, #tpu.memory_space<vmem>> -> memref<128xi32, #tpu.memory_space<vmem>>
        %dma_wait3A_30 = arith.constant 0 : i32
        %dma_wait3A_31 = arith.constant 0 : i32
        %dma_wait3A_32 = tpu.memref_slice %arg8[%dma_wait3A_30, %dma_wait3A_31] : memref<10240x32xf32, #tpu.memory_space<vmem_shared>> -> memref<10240x32xf32, #tpu.memory_space<vmem_shared>>
        tpu.wait_indirect_dma semaphore(%run_scoped3A : memref<!tpu.dma_semaphore, #tpu.memory_space<semaphore_mem>>) src(%arg7 : memref<128x32xf32, #tpu.memory_space<vmem>>) dst(%dma_wait3A_32 : memref<10240x32xf32, #tpu.memory_space<vmem_shared>>)
        tpu.yield
      }) : () -> ()
    }
    %while3A_16 = arith.constant 1 : i32
    scf.for %while3A_18 = %while3A_14 to %while3A_10 step %while3A_16  : i32 {
      %add3A_19 = arith.addi %multiple_of3A, %while3A_18 : i32
      %mul3A_20 = arith.constant 128 : i32
      %mul3A_21 = arith.muli %add3A_19, %mul3A_20 : i32
      %multiple_of3A_22 = tpu.assume_multiple %mul3A_21, 8 : i32
      "tpu.region"() ({
        %run_scoped3A = tpu.sem_alloc : memref<!tpu.dma_semaphore, #tpu.memory_space<semaphore_mem>>
        %dma_start3A = arith.constant 0 : i32
        %dma_start3A_23 = tpu.memref_slice %arg2[%multiple_of3A_22, %dma_start3A] : memref<160000x32xf32, #tpu.memory_space<hbm>> -> memref<128x32xf32, #tpu.memory_space<hbm>>
        %dma_start3A_24 = arith.constant 0 : i32
        %dma_start3A_25 = tpu.memref_slice %arg2[%multiple_of3A_22, %dma_start3A_24] : memref<160000x32xf32, #tpu.memory_space<hbm>> -> memref<128x32xf32, #tpu.memory_space<hbm>>
        tpu.enqueue_dma source(%dma_start3A_25 : memref<128x32xf32, #tpu.memory_space<hbm>>) target(%arg7 : memref<128x32xf32, #tpu.memory_space<vmem>>) target_semaphore(%run_scoped3A : memref<!tpu.dma_semaphore, #tpu.memory_space<semaphore_mem>>)
        %dma_wait3A = arith.constant 0 : i32
        %dma_wait3A_26 = tpu.memref_slice %arg2[%multiple_of3A_22, %dma_wait3A] : memref<160000x32xf32, #tpu.memory_space<hbm>> -> memref<128x32xf32, #tpu.memory_space<hbm>>
        %dma_wait3A_27 = arith.constant 0 : i32
        %dma_wait3A_28 = tpu.memref_slice %arg2[%multiple_of3A_22, %dma_wait3A_27] : memref<160000x32xf32, #tpu.memory_space<hbm>> -> memref<128x32xf32, #tpu.memory_space<hbm>>
        tpu.wait_dma2 semaphore(%run_scoped3A : memref<!tpu.dma_semaphore, #tpu.memory_space<semaphore_mem>>) src(%dma_wait3A_28 : memref<128x32xf32, #tpu.memory_space<hbm>>) dst(%arg7 : memref<128x32xf32, #tpu.memory_space<vmem>>)
        tpu.yield
      }) : () -> ()
      "tpu.region"() ({
        %run_scoped3A = tpu.sem_alloc : memref<!tpu.dma_semaphore, #tpu.memory_space<semaphore_mem>>
        %dma_start3A = arith.constant 0 : i32
        %dma_start3A_23 = tpu.memref_slice %arg6[%while3A_18, %dma_start3A] : memref<40x128xi32, #tpu.memory_space<vmem>> -> memref<1x128xi32, #tpu.memory_space<vmem>>
        %dma_start3A_24 = tpu.memref_squeeze %dma_start3A_23 : memref<1x128xi32, #tpu.memory_space<vmem>> -> memref<128xi32, #tpu.memory_space<vmem>>
        %dma_start3A_25 = arith.constant 0 : i32
        %dma_start3A_26 = arith.constant 0 : i32
        %dma_start3A_27 = tpu.memref_slice %arg8[%dma_start3A_25, %dma_start3A_26] : memref<10240x32xf32, #tpu.memory_space<vmem_shared>> -> memref<10240x32xf32, #tpu.memory_space<vmem_shared>>
        tpu.enqueue_indirect_dma source(%arg7 : memref<128x32xf32, #tpu.memory_space<vmem>>) target(%dma_start3A_27 : memref<10240x32xf32, #tpu.memory_space<vmem_shared>>) offsets(%dma_start3A_24 : memref<128xi32, #tpu.memory_space<vmem>>) semaphore(%run_scoped3A : memref<!tpu.dma_semaphore, #tpu.memory_space<semaphore_mem>>) {add = true}
        %dma_wait3A = arith.constant 0 : i32
        %dma_wait3A_28 = tpu.memref_slice %arg6[%while3A_18, %dma_wait3A] : memref<40x128xi32, #tpu.memory_space<vmem>> -> memref<1x128xi32, #tpu.memory_space<vmem>>
        %dma_wait3A_29 = tpu.memref_squeeze %dma_wait3A_28 : memref<1x128xi32, #tpu.memory_space<vmem>> -> memref<128xi32, #tpu.memory_space<vmem>>
        %dma_wait3A_30 = arith.constant 0 : i32
        %dma_wait3A_31 = arith.constant 0 : i32
        %dma_wait3A_32 = tpu.memref_slice %arg8[%dma_wait3A_30, %dma_wait3A_31] : memref<10240x32xf32, #tpu.memory_space<vmem_shared>> -> memref<10240x32xf32, #tpu.memory_space<vmem_shared>>
        tpu.wait_indirect_dma semaphore(%run_scoped3A : memref<!tpu.dma_semaphore, #tpu.memory_space<semaphore_mem>>) src(%arg7 : memref<128x32xf32, #tpu.memory_space<vmem>>) dst(%dma_wait3A_32 : memref<10240x32xf32, #tpu.memory_space<vmem_shared>>)
        tpu.yield
      }) : () -> ()
    }
    %barrier3A_17 = arith.constant 0 : index
    tpu.barrier barrier_id(%barrier3A_17)
    "tpu.region"() ({
      %run_scoped3A = tpu.sem_alloc : memref<!tpu.dma_semaphore, #tpu.memory_space<semaphore_mem>>
      %dma_start3A = arith.constant 0 : i32
      %dma_start3A_18 = tpu.memref_slice %arg5[%arg0, %multiple_of3A_7, %dma_start3A] : memref<2x10240x32xf32, #tpu.memory_space<hbm>> -> memref<1x640x32xf32, #tpu.memory_space<hbm>>
      %dma_start3A_19 = tpu.memref_squeeze %dma_start3A_18 : memref<1x640x32xf32, #tpu.memory_space<hbm>> -> memref<640x32xf32, #tpu.memory_space<hbm>>
      %dma_start3A_20 = arith.constant 0 : i32
      %dma_start3A_21 = tpu.memref_slice %arg8[%multiple_of3A_7, %dma_start3A_20] : memref<10240x32xf32, #tpu.memory_space<vmem_shared>> -> memref<640x32xf32, #tpu.memory_space<vmem_shared>>
      tpu.enqueue_dma source(%dma_start3A_21 : memref<640x32xf32, #tpu.memory_space<vmem_shared>>) target(%dma_start3A_19 : memref<640x32xf32, #tpu.memory_space<hbm>>) target_semaphore(%run_scoped3A : memref<!tpu.dma_semaphore, #tpu.memory_space<semaphore_mem>>)
      %dma_wait3A = arith.constant 0 : i32
      %dma_wait3A_22 = tpu.memref_slice %arg5[%arg0, %multiple_of3A_7, %dma_wait3A] : memref<2x10240x32xf32, #tpu.memory_space<hbm>> -> memref<1x640x32xf32, #tpu.memory_space<hbm>>
      %dma_wait3A_23 = tpu.memref_squeeze %dma_wait3A_22 : memref<1x640x32xf32, #tpu.memory_space<hbm>> -> memref<640x32xf32, #tpu.memory_space<hbm>>
      %dma_wait3A_24 = arith.constant 0 : i32
      %dma_wait3A_25 = tpu.memref_slice %arg8[%multiple_of3A_7, %dma_wait3A_24] : memref<10240x32xf32, #tpu.memory_space<vmem_shared>> -> memref<640x32xf32, #tpu.memory_space<vmem_shared>>
      tpu.wait_dma2 semaphore(%run_scoped3A : memref<!tpu.dma_semaphore, #tpu.memory_space<semaphore_mem>>) src(%dma_wait3A_25 : memref<640x32xf32, #tpu.memory_space<vmem_shared>>) dst(%dma_wait3A_23 : memref<640x32xf32, #tpu.memory_space<hbm>>)
      tpu.yield
    }) : () -> ()
    return
  }
}

#map = affine_map<(d0, d1) -> (0, 0)>
module attributes {stable_mosaic.version = 14 : i64} {
  func.func @k(%arg0: i32, %arg1: i32, %arg2: memref<10000x16xf32, #tpu.memory_space<hbm>>, %arg3: memref<1280x128xi32, #tpu.memory_space<hbm>>, %arg4: memref<160000x16xf32, #tpu.memory_space<hbm>>, %arg5: memref<40x128xi32, #tpu.memory_space<vmem>>, %arg6: memref<5120x16xf32, #tpu.memory_space<vmem>>, %arg7: memref<!tpu.dma_semaphore, #tpu.memory_space<semaphore_mem>>) attributes {dimension_semantics = [#tpu.dimension_semantics<core_parallel>, #tpu.dimension_semantics<subcore_parallel>], iteration_bounds = array<i64: 2, 16>, scalar_prefetch = 0 : i64, scratch_operands = 3 : i64, tpu.core_type = #tpu.core_type<sc_vector_subcore>, window_params = [{transform_indices = #map}, {transform_indices = #map}, {transform_indices = #map}]} {
    %mul3A = arith.constant 2 : i32
    %mul3A_0 = arith.muli %arg1, %mul3A : i32
    %add3A = arith.addi %mul3A_0, %arg0 : i32
    %mul3A_1 = arith.constant 40 : i32
    %mul3A_2 = arith.muli %mul3A_1, %add3A : i32
    %multiple_of3A = tpu.assume_multiple %mul3A_2, 8 : i32
    %eq3A = arith.constant 31 : i32
    %eq3A_3 = arith.cmpi eq, %add3A, %eq3A : i32
    %jit3A = arith.constant 10 : i32
    %jit3A_4 = arith.constant 40 : i32
    %select_n3A = arith.select %eq3A_3, %jit3A, %jit3A_4 : i32
    "tpu.region"() ({
      %run_scoped3A = tpu.sem_alloc : memref<!tpu.dma_semaphore, #tpu.memory_space<semaphore_mem>>
      %dma_start3A = arith.constant 0 : i32
      %dma_start3A_34 = tpu.memref_slice %arg3[%multiple_of3A, %dma_start3A] : memref<1280x128xi32, #tpu.memory_space<hbm>> -> memref<40x128xi32, #tpu.memory_space<hbm>>
      %dma_start3A_35 = arith.constant 0 : i32
      %dma_start3A_36 = tpu.memref_slice %arg3[%multiple_of3A, %dma_start3A_35] : memref<1280x128xi32, #tpu.memory_space<hbm>> -> memref<40x128xi32, #tpu.memory_space<hbm>>
      tpu.enqueue_dma source(%dma_start3A_36 : memref<40x128xi32, #tpu.memory_space<hbm>>) target(%arg5 : memref<40x128xi32, #tpu.memory_space<vmem>>) target_semaphore(%run_scoped3A : memref<!tpu.dma_semaphore, #tpu.memory_space<semaphore_mem>>)
      %dma_wait3A = arith.constant 0 : i32
      %dma_wait3A_37 = tpu.memref_slice %arg3[%multiple_of3A, %dma_wait3A] : memref<1280x128xi32, #tpu.memory_space<hbm>> -> memref<40x128xi32, #tpu.memory_space<hbm>>
      %dma_wait3A_38 = arith.constant 0 : i32
      %dma_wait3A_39 = tpu.memref_slice %arg3[%multiple_of3A, %dma_wait3A_38] : memref<1280x128xi32, #tpu.memory_space<hbm>> -> memref<40x128xi32, #tpu.memory_space<hbm>>
      tpu.wait_dma2 semaphore(%run_scoped3A : memref<!tpu.dma_semaphore, #tpu.memory_space<semaphore_mem>>) src(%dma_wait3A_39 : memref<40x128xi32, #tpu.memory_space<hbm>>) dst(%arg5 : memref<40x128xi32, #tpu.memory_space<vmem>>)
      tpu.yield
    }) : () -> ()
    %while3A = arith.constant 0 : i32
    %while3A_5 = arith.constant 0 : i32
    %while3A_6 = arith.subi %select_n3A, %while3A_5 : i32
    %while3A_7 = arith.addi %while3A_5, %while3A_6 : i32
    %while3A_8 = arith.constant 1 : i32
    %while3A_9 = arith.divsi %while3A_6, %while3A_8 : i32
    %while3A_10 = arith.muli %while3A_9, %while3A_8 : i32
    %while3A_11 = arith.addi %while3A_5, %while3A_10 : i32
    %while3A_12 = arith.constant 1 : i32
    scf.for %while3A_34 = %while3A_5 to %while3A_11 step %while3A_12  : i32 {
      %mul3A_35 = arith.constant 128 : i32
      %mul3A_36 = arith.muli %while3A_34, %mul3A_35 : i32
      %multiple_of3A_37 = tpu.assume_multiple %mul3A_36, 8 : i32
      %dma_start3A = arith.constant 0 : i32
      %dma_start3A_38 = tpu.memref_slice %arg6[%multiple_of3A_37, %dma_start3A] : memref<5120x16xf32, #tpu.memory_space<vmem>> -> memref<128x16xf32, #tpu.memory_space<vmem>>
      %dma_start3A_39 = arith.constant 0 : i32
      %dma_start3A_40 = tpu.memref_slice %arg5[%while3A_34, %dma_start3A_39] : memref<40x128xi32, #tpu.memory_space<vmem>> -> memref<1x128xi32, #tpu.memory_space<vmem>>
      %dma_start3A_41 = tpu.memref_squeeze %dma_start3A_40 : memref<1x128xi32, #tpu.memory_space<vmem>> -> memref<128xi32, #tpu.memory_space<vmem>>
      %dma_start3A_42 = arith.constant 0 : i32
      %dma_start3A_43 = arith.constant 0 : i32
      %dma_start3A_44 = tpu.memref_slice %arg2[%dma_start3A_42, %dma_start3A_43] : memref<10000x16xf32, #tpu.memory_space<hbm>> -> memref<10000x16xf32, #tpu.memory_space<hbm>>
      tpu.enqueue_indirect_dma source(%dma_start3A_44 : memref<10000x16xf32, #tpu.memory_space<hbm>>) target(%dma_start3A_38 : memref<128x16xf32, #tpu.memory_space<vmem>>) offsets(%dma_start3A_41 : memref<128xi32, #tpu.memory_space<vmem>>) semaphore(%arg7 : memref<!tpu.dma_semaphore, #tpu.memory_space<semaphore_mem>>)
    }
    %while3A_13 = arith.constant 1 : i32
    scf.for %while3A_34 = %while3A_11 to %while3A_7 step %while3A_13  : i32 {
      %mul3A_35 = arith.constant 128 : i32
      %mul3A_36 = arith.muli %while3A_34, %mul3A_35 : i32
      %multiple_of3A_37 = tpu.assume_multiple %mul3A_36, 8 : i32
      %dma_start3A = arith.constant 0 : i32
      %dma_start3A_38 = tpu.memref_slice %arg6[%multiple_of3A_37, %dma_start3A] : memref<5120x16xf32, #tpu.memory_space<vmem>> -> memref<128x16xf32, #tpu.memory_space<vmem>>
      %dma_start3A_39 = arith.constant 0 : i32
      %dma_start3A_40 = tpu.memref_slice %arg5[%while3A_34, %dma_start3A_39] : memref<40x128xi32, #tpu.memory_space<vmem>> -> memref<1x128xi32, #tpu.memory_space<vmem>>
      %dma_start3A_41 = tpu.memref_squeeze %dma_start3A_40 : memref<1x128xi32, #tpu.memory_space<vmem>> -> memref<128xi32, #tpu.memory_space<vmem>>
      %dma_start3A_42 = arith.constant 0 : i32
      %dma_start3A_43 = arith.constant 0 : i32
      %dma_start3A_44 = tpu.memref_slice %arg2[%dma_start3A_42, %dma_start3A_43] : memref<10000x16xf32, #tpu.memory_space<hbm>> -> memref<10000x16xf32, #tpu.memory_space<hbm>>
      tpu.enqueue_indirect_dma source(%dma_start3A_44 : memref<10000x16xf32, #tpu.memory_space<hbm>>) target(%dma_start3A_38 : memref<128x16xf32, #tpu.memory_space<vmem>>) offsets(%dma_start3A_41 : memref<128xi32, #tpu.memory_space<vmem>>) semaphore(%arg7 : memref<!tpu.dma_semaphore, #tpu.memory_space<semaphore_mem>>)
    }
    %while3A_14 = arith.constant 0 : i32
    %while3A_15 = arith.constant 0 : i32
    %while3A_16 = arith.subi %select_n3A, %while3A_15 : i32
    %while3A_17 = arith.addi %while3A_15, %while3A_16 : i32
    %while3A_18 = arith.constant 1 : i32
    %while3A_19 = arith.divsi %while3A_16, %while3A_18 : i32
    %while3A_20 = arith.muli %while3A_19, %while3A_18 : i32
    %while3A_21 = arith.addi %while3A_15, %while3A_20 : i32
    %while3A_22 = arith.constant 1 : i32
    scf.for %while3A_34 = %while3A_15 to %while3A_21 step %while3A_22  : i32 {
      %mul3A_35 = arith.constant 128 : i32
      %mul3A_36 = arith.muli %while3A_34, %mul3A_35 : i32
      %multiple_of3A_37 = tpu.assume_multiple %mul3A_36, 8 : i32
      %dma_wait3A = arith.constant 0 : i32
      %dma_wait3A_38 = tpu.memref_slice %arg6[%multiple_of3A_37, %dma_wait3A] : memref<5120x16xf32, #tpu.memory_space<vmem>> -> memref<128x16xf32, #tpu.memory_space<vmem>>
      %dma_wait3A_39 = arith.constant 0 : i32
      %dma_wait3A_40 = tpu.memref_slice %arg5[%while3A_34, %dma_wait3A_39] : memref<40x128xi32, #tpu.memory_space<vmem>> -> memref<1x128xi32, #tpu.memory_space<vmem>>
      %dma_wait3A_41 = tpu.memref_squeeze %dma_wait3A_40 : memref<1x128xi32, #tpu.memory_space<vmem>> -> memref<128xi32, #tpu.memory_space<vmem>>
      %dma_wait3A_42 = arith.constant 0 : i32
      %dma_wait3A_43 = arith.constant 0 : i32
      %dma_wait3A_44 = tpu.memref_slice %arg2[%dma_wait3A_42, %dma_wait3A_43] : memref<10000x16xf32, #tpu.memory_space<hbm>> -> memref<10000x16xf32, #tpu.memory_space<hbm>>
      tpu.wait_indirect_dma semaphore(%arg7 : memref<!tpu.dma_semaphore, #tpu.memory_space<semaphore_mem>>) src(%dma_wait3A_44 : memref<10000x16xf32, #tpu.memory_space<hbm>>) dst(%dma_wait3A_38 : memref<128x16xf32, #tpu.memory_space<vmem>>)
    }
    %while3A_23 = arith.constant 1 : i32
    scf.for %while3A_34 = %while3A_21 to %while3A_17 step %while3A_23  : i32 {
      %mul3A_35 = arith.constant 128 : i32
      %mul3A_36 = arith.muli %while3A_34, %mul3A_35 : i32
      %multiple_of3A_37 = tpu.assume_multiple %mul3A_36, 8 : i32
      %dma_wait3A = arith.constant 0 : i32
      %dma_wait3A_38 = tpu.memref_slice %arg6[%multiple_of3A_37, %dma_wait3A] : memref<5120x16xf32, #tpu.memory_space<vmem>> -> memref<128x16xf32, #tpu.memory_space<vmem>>
      %dma_wait3A_39 = arith.constant 0 : i32
      %dma_wait3A_40 = tpu.memref_slice %arg5[%while3A_34, %dma_wait3A_39] : memref<40x128xi32, #tpu.memory_space<vmem>> -> memref<1x128xi32, #tpu.memory_space<vmem>>
      %dma_wait3A_41 = tpu.memref_squeeze %dma_wait3A_40 : memref<1x128xi32, #tpu.memory_space<vmem>> -> memref<128xi32, #tpu.memory_space<vmem>>
      %dma_wait3A_42 = arith.constant 0 : i32
      %dma_wait3A_43 = arith.constant 0 : i32
      %dma_wait3A_44 = tpu.memref_slice %arg2[%dma_wait3A_42, %dma_wait3A_43] : memref<10000x16xf32, #tpu.memory_space<hbm>> -> memref<10000x16xf32, #tpu.memory_space<hbm>>
      tpu.wait_indirect_dma semaphore(%arg7 : memref<!tpu.dma_semaphore, #tpu.memory_space<semaphore_mem>>) src(%dma_wait3A_44 : memref<10000x16xf32, #tpu.memory_space<hbm>>) dst(%dma_wait3A_38 : memref<128x16xf32, #tpu.memory_space<vmem>>)
    }
    %mul3A_24 = arith.constant 128 : i32
    %mul3A_25 = arith.muli %multiple_of3A, %mul3A_24 : i32
    %multiple_of3A_26 = tpu.assume_multiple %mul3A_25, 8 : i32
    %lt3A = arith.constant 31 : i32
    %lt3A_27 = arith.cmpi slt, %add3A, %lt3A : i32
    %convert_element_type3A = arith.extui %lt3A_27 : i1 to i32
    %cond3A = arith.constant 0 : i32
    %cond3A_28 = arith.cmpi ne, %convert_element_type3A, %cond3A : i32
    scf.if %cond3A_28 {
      "tpu.region"() ({
        %run_scoped3A = tpu.sem_alloc : memref<!tpu.dma_semaphore, #tpu.memory_space<semaphore_mem>>
        %dma_start3A = arith.constant 0 : i32
        %dma_start3A_34 = tpu.memref_slice %arg4[%multiple_of3A_26, %dma_start3A] : memref<160000x16xf32, #tpu.memory_space<hbm>> -> memref<5120x16xf32, #tpu.memory_space<hbm>>
        %dma_start3A_35 = arith.constant 0 : i32
        %dma_start3A_36 = tpu.memref_slice %arg4[%multiple_of3A_26, %dma_start3A_35] : memref<160000x16xf32, #tpu.memory_space<hbm>> -> memref<5120x16xf32, #tpu.memory_space<hbm>>
        tpu.enqueue_dma source(%arg6 : memref<5120x16xf32, #tpu.memory_space<vmem>>) target(%dma_start3A_36 : memref<5120x16xf32, #tpu.memory_space<hbm>>) target_semaphore(%run_scoped3A : memref<!tpu.dma_semaphore, #tpu.memory_space<semaphore_mem>>)
        %dma_wait3A = arith.constant 0 : i32
        %dma_wait3A_37 = tpu.memref_slice %arg4[%multiple_of3A_26, %dma_wait3A] : memref<160000x16xf32, #tpu.memory_space<hbm>> -> memref<5120x16xf32, #tpu.memory_space<hbm>>
        %dma_wait3A_38 = arith.constant 0 : i32
        %dma_wait3A_39 = tpu.memref_slice %arg4[%multiple_of3A_26, %dma_wait3A_38] : memref<160000x16xf32, #tpu.memory_space<hbm>> -> memref<5120x16xf32, #tpu.memory_space<hbm>>
        tpu.wait_dma2 semaphore(%run_scoped3A : memref<!tpu.dma_semaphore, #tpu.memory_space<semaphore_mem>>) src(%arg6 : memref<5120x16xf32, #tpu.memory_space<vmem>>) dst(%dma_wait3A_39 : memref<5120x16xf32, #tpu.memory_space<hbm>>)
        tpu.yield
      }) : () -> ()
    } else {
    }
    %eq3A_29 = arith.constant 31 : i32
    %eq3A_30 = arith.cmpi eq, %add3A, %eq3A_29 : i32
    %convert_element_type3A_31 = arith.extui %eq3A_30 : i1 to i32
    %cond3A_32 = arith.constant 0 : i32
    %cond3A_33 = arith.cmpi ne, %convert_element_type3A_31, %cond3A_32 : i32
    scf.if %cond3A_33 {
      "tpu.region"() ({
        %run_scoped3A = tpu.sem_alloc : memref<!tpu.dma_semaphore, #tpu.memory_space<semaphore_mem>>
        %dma_start3A = arith.constant 0 : i32
        %dma_start3A_34 = arith.constant 0 : i32
        %dma_start3A_35 = tpu.memref_slice %arg6[%dma_start3A, %dma_start3A_34] : memref<5120x16xf32, #tpu.memory_space<vmem>> -> memref<1280x16xf32, #tpu.memory_space<vmem>>
        %dma_start3A_36 = arith.constant 0 : i32
        %dma_start3A_37 = tpu.memref_slice %arg4[%multiple_of3A_26, %dma_start3A_36] : memref<160000x16xf32, #tpu.memory_space<hbm>> -> memref<1280x16xf32, #tpu.memory_space<hbm>>
        %dma_start3A_38 = arith.constant 0 : i32
        %dma_start3A_39 = tpu.memref_slice %arg4[%multiple_of3A_26, %dma_start3A_38] : memref<160000x16xf32, #tpu.memory_space<hbm>> -> memref<1280x16xf32, #tpu.memory_space<hbm>>
        %dma_start3A_40 = arith.constant 0 : i32
        %dma_start3A_41 = arith.constant 0 : i32
        %dma_start3A_42 = tpu.memref_slice %arg6[%dma_start3A_40, %dma_start3A_41] : memref<5120x16xf32, #tpu.memory_space<vmem>> -> memref<1280x16xf32, #tpu.memory_space<vmem>>
        tpu.enqueue_dma source(%dma_start3A_42 : memref<1280x16xf32, #tpu.memory_space<vmem>>) target(%dma_start3A_39 : memref<1280x16xf32, #tpu.memory_space<hbm>>) target_semaphore(%run_scoped3A : memref<!tpu.dma_semaphore, #tpu.memory_space<semaphore_mem>>)
        %dma_wait3A = arith.constant 0 : i32
        %dma_wait3A_43 = arith.constant 0 : i32
        %dma_wait3A_44 = tpu.memref_slice %arg6[%dma_wait3A, %dma_wait3A_43] : memref<5120x16xf32, #tpu.memory_space<vmem>> -> memref<1280x16xf32, #tpu.memory_space<vmem>>
        %dma_wait3A_45 = arith.constant 0 : i32
        %dma_wait3A_46 = tpu.memref_slice %arg4[%multiple_of3A_26, %dma_wait3A_45] : memref<160000x16xf32, #tpu.memory_space<hbm>> -> memref<1280x16xf32, #tpu.memory_space<hbm>>
        %dma_wait3A_47 = arith.constant 0 : i32
        %dma_wait3A_48 = tpu.memref_slice %arg4[%multiple_of3A_26, %dma_wait3A_47] : memref<160000x16xf32, #tpu.memory_space<hbm>> -> memref<1280x16xf32, #tpu.memory_space<hbm>>
        %dma_wait3A_49 = arith.constant 0 : i32
        %dma_wait3A_50 = arith.constant 0 : i32
        %dma_wait3A_51 = tpu.memref_slice %arg6[%dma_wait3A_49, %dma_wait3A_50] : memref<5120x16xf32, #tpu.memory_space<vmem>> -> memref<1280x16xf32, #tpu.memory_space<vmem>>
        tpu.wait_dma2 semaphore(%run_scoped3A : memref<!tpu.dma_semaphore, #tpu.memory_space<semaphore_mem>>) src(%dma_wait3A_51 : memref<1280x16xf32, #tpu.memory_space<vmem>>) dst(%dma_wait3A_48 : memref<1280x16xf32, #tpu.memory_space<hbm>>)
        tpu.yield
      }) : () -> ()
    } else {
    }
    return
  }
}

module attributes {stable_mosaic.version = 14 : i64} {
  func.func @body(%arg0: i32, %arg1: memref<4000x48xf32, #tpu.memory_space<vmem>>, %arg2: memref<4000x9xf32, #tpu.memory_space<vmem>>, %arg3: memref<4000x16xf32, #tpu.memory_space<vmem>>, %arg4: memref<48x48xf32, #tpu.memory_space<vmem>>, %arg5: memref<1x48xf32, #tpu.memory_space<vmem>>, %arg6: memref<48x256xf32, #tpu.memory_space<vmem>>, %arg7: memref<1x256xf32, #tpu.memory_space<vmem>>, %arg8: memref<48x64xf32, #tpu.memory_space<vmem>>, %arg9: memref<1x64xf32, #tpu.memory_space<vmem>>, %arg10: memref<256x16xf32, #tpu.memory_space<vmem>>, %arg11: memref<64x16xf32, #tpu.memory_space<vmem>>, %arg12: memref<9x32xf32, #tpu.memory_space<vmem>>, %arg13: memref<4000x32xf32, #tpu.memory_space<vmem>>) attributes {dimension_semantics = [#tpu.dimension_semantics<arbitrary>], iteration_bounds = array<i64: 40>, scalar_prefetch = 0 : i64, scratch_operands = 0 : i64, tpu.core_type = #tpu.core_type<tc>, window_params = [{transform_indices = @transform_0, window_bounds = array<i64: 4000, 48>}, {transform_indices = @transform_1, window_bounds = array<i64: 4000, 9>}, {transform_indices = @transform_2, window_bounds = array<i64: 4000, 16>}, {pipeline_mode = #tpu.pipeline_mode<synchronous>, transform_indices = @transform_3, window_bounds = array<i64: 48, 48>}, {pipeline_mode = #tpu.pipeline_mode<synchronous>, transform_indices = @transform_4, window_bounds = array<i64: 1, 48>}, {pipeline_mode = #tpu.pipeline_mode<synchronous>, transform_indices = @transform_5, window_bounds = array<i64: 48, 256>}, {pipeline_mode = #tpu.pipeline_mode<synchronous>, transform_indices = @transform_6, window_bounds = array<i64: 1, 256>}, {pipeline_mode = #tpu.pipeline_mode<synchronous>, transform_indices = @transform_7, window_bounds = array<i64: 48, 64>}, {pipeline_mode = #tpu.pipeline_mode<synchronous>, transform_indices = @transform_8, window_bounds = array<i64: 1, 64>}, {pipeline_mode = #tpu.pipeline_mode<synchronous>, transform_indices = @transform_9, window_bounds = array<i64: 256, 16>}, {pipeline_mode = #tpu.pipeline_mode<synchronous>, transform_indices = @transform_10, window_bounds = array<i64: 64, 16>}, {pipeline_mode = #tpu.pipeline_mode<synchronous>, transform_indices = @transform_11, window_bounds = array<i64: 9, 32>}, {transform_indices = @transform_12, window_bounds = array<i64: 4000, 32>}]} {
    %get3A = arith.constant 0 : index
    %get3A_0 = arith.constant 0 : index
    %get3A_1 = vector.load %arg1[%get3A, %get3A_0] : memref<4000x48xf32, #tpu.memory_space<vmem>>, vector<4000x48xf32>
    %get3A_2 = arith.constant 0 : index
    %get3A_3 = arith.constant 0 : index
    %get3A_4 = vector.load %arg4[%get3A_2, %get3A_3] : memref<48x48xf32, #tpu.memory_space<vmem>>, vector<48x48xf32>
    %dot_general3A = arith.constant dense<0.000000e+00> : vector<4000x48xf32>
    %dot_general3A_5 = tpu.matmul %get3A_1, %get3A_4, %dot_general3A {dimension_numbers = #tpu.dot_dimension_numbers<[1], [0], [0], [1], [0, 0, 1, 1], [], []>, transpose_lhs_hint = false} : vector<4000x48xf32>, vector<48x48xf32>, vector<4000x48xf32> -> vector<4000x48xf32>
    %get3A_6 = arith.constant 0 : index
    %get3A_7 = arith.constant 0 : index
    %get3A_8 = vector.load %arg5[%get3A_6, %get3A_7] : memref<1x48xf32, #tpu.memory_space<vmem>>, vector<1x48xf32>
    %add3A = vector.broadcast %get3A_8 : vector<1x48xf32> to vector<4000x48xf32>
    %add3A_9 = arith.addf %dot_general3A_5, %add3A : vector<4000x48xf32>
    %max3A = arith.constant 0.000000e+00 : f32
    %max3A_10 = vector.broadcast %max3A : f32 to vector<4000x48xf32>
    %max3A_11 = arith.maximumf %add3A_9, %max3A_10 : vector<4000x48xf32>
    %get3A_12 = arith.constant 0 : index
    %get3A_13 = arith.constant 0 : index
    %get3A_14 = vector.load %arg6[%get3A_12, %get3A_13] : memref<48x256xf32, #tpu.memory_space<vmem>>, vector<48x256xf32>
    %dot_general3A_15 = arith.constant dense<0.000000e+00> : vector<4000x256xf32>
    %dot_general3A_16 = tpu.matmul %max3A_11, %get3A_14, %dot_general3A_15 {dimension_numbers = #tpu.dot_dimension_numbers<[1], [0], [0], [1], [0, 0, 1, 1], [], []>, transpose_lhs_hint = false} : vector<4000x48xf32>, vector<48x256xf32>, vector<4000x256xf32> -> vector<4000x256xf32>
    %get3A_17 = arith.constant 0 : index
    %get3A_18 = arith.constant 0 : index
    %get3A_19 = vector.load %arg7[%get3A_17, %get3A_18] : memref<1x256xf32, #tpu.memory_space<vmem>>, vector<1x256xf32>
    %add3A_20 = vector.broadcast %get3A_19 : vector<1x256xf32> to vector<4000x256xf32>
    %add3A_21 = arith.addf %dot_general3A_16, %add3A_20 : vector<4000x256xf32>
    %get3A_22 = arith.constant 0 : index
    %get3A_23 = arith.constant 0 : index
    %get3A_24 = vector.load %arg8[%get3A_22, %get3A_23] : memref<48x64xf32, #tpu.memory_space<vmem>>, vector<48x64xf32>
    %dot_general3A_25 = arith.constant dense<0.000000e+00> : vector<4000x64xf32>
    %dot_general3A_26 = tpu.matmul %max3A_11, %get3A_24, %dot_general3A_25 {dimension_numbers = #tpu.dot_dimension_numbers<[1], [0], [0], [1], [0, 0, 1, 1], [], []>, transpose_lhs_hint = false} : vector<4000x48xf32>, vector<48x64xf32>, vector<4000x64xf32> -> vector<4000x64xf32>
    %get3A_27 = arith.constant 0 : index
    %get3A_28 = arith.constant 0 : index
    %get3A_29 = vector.load %arg9[%get3A_27, %get3A_28] : memref<1x64xf32, #tpu.memory_space<vmem>>, vector<1x64xf32>
    %add3A_30 = vector.broadcast %get3A_29 : vector<1x64xf32> to vector<4000x64xf32>
    %add3A_31 = arith.addf %dot_general3A_26, %add3A_30 : vector<4000x64xf32>
    %get3A_32 = arith.constant 0 : index
    %get3A_33 = arith.constant 0 : index
    %get3A_34 = vector.load %arg3[%get3A_32, %get3A_33] : memref<4000x16xf32, #tpu.memory_space<vmem>>, vector<4000x16xf32>
    %get3A_35 = arith.constant 0 : index
    %get3A_36 = arith.constant 0 : index
    %get3A_37 = vector.load %arg2[%get3A_35, %get3A_36] : memref<4000x9xf32, #tpu.memory_space<vmem>>, vector<4000x9xf32>
    %iota3A = tpu.iota {dimensions = array<i32: 1>} : vector<4000x256xi32>
    %jit3A = arith.constant 16 : i32
    %eq3A = arith.constant 0 : i32
    %eq3A_38 = arith.cmpi eq, %jit3A, %eq3A : i32
    %jit3A_39 = arith.constant 1 : i32
    %select_n3A = arith.select %eq3A_38, %jit3A_39, %jit3A : i32
    %rem3A = vector.broadcast %select_n3A : i32 to vector<4000x256xi32>
    %rem3A_40 = arith.remsi %iota3A, %rem3A : vector<4000x256xi32>
    %ne3A = arith.constant 0 : i32
    %ne3A_41 = vector.broadcast %ne3A : i32 to vector<4000x256xi32>
    %ne3A_42 = arith.cmpi ne, %rem3A_40, %ne3A_41 : vector<4000x256xi32>
    %lt3A = arith.constant 0 : i32
    %lt3A_43 = vector.broadcast %lt3A : i32 to vector<4000x256xi32>
    %lt3A_44 = arith.cmpi slt, %rem3A_40, %lt3A_43 : vector<4000x256xi32>
    %lt3A_45 = arith.constant 0 : i32
    %lt3A_46 = arith.cmpi slt, %select_n3A, %lt3A_45 : i32
    %ne3A_47 = vector.broadcast %lt3A_46 : i1 to vector<4000x256xi1>
    %ne3A_48 = vector.broadcast %ne3A_47 : vector<4000x256xi1> to vector<4000x256xi1>
    %ne3A_49 = arith.xori %lt3A_44, %ne3A_48 : vector<4000x256xi1>
    %and3A = arith.andi %ne3A_49, %ne3A_42 : vector<4000x256xi1>
    %add3A_50 = vector.broadcast %select_n3A : i32 to vector<4000x256xi32>
    %add3A_51 = arith.addi %rem3A_40, %add3A_50 : vector<4000x256xi32>
    %select_n3A_52 = arith.select %and3A, %add3A_51, %rem3A_40 : vector<4000x256xi1>, vector<4000x256xi32>
    %lt3A_53 = arith.constant 0 : i32
    %lt3A_54 = vector.broadcast %lt3A_53 : i32 to vector<4000x256xi32>
    %lt3A_55 = arith.cmpi slt, %select_n3A_52, %lt3A_54 : vector<4000x256xi32>
    %add3A_56 = arith.constant 16 : i32
    %add3A_57 = vector.broadcast %add3A_56 : i32 to vector<4000x256xi32>
    %add3A_58 = arith.addi %select_n3A_52, %add3A_57 : vector<4000x256xi32>
    %select_n3A_59 = arith.select %lt3A_55, %add3A_58, %select_n3A_52 : vector<4000x256xi1>, vector<4000x256xi32>
    %reshape3A = vector.shape_cast %select_n3A_59 : vector<4000x256xi32> to vector<4000x256x1xi32>
    %gather3A = vector.shape_cast %reshape3A : vector<4000x256x1xi32> to vector<4000x256xi32>
    %gather3A_60 = tpu.dynamic_gather %get3A_34[%gather3A] in [1] : vector<4000x16xf32>, vector<4000x256xi32> -> vector<4000x256xf32>
    %mul3A = arith.mulf %gather3A_60, %add3A_21 : vector<4000x256xf32>
    %get3A_61 = arith.constant 0 : index
    %get3A_62 = arith.constant 0 : index
    %get3A_63 = vector.load %arg10[%get3A_61, %get3A_62] : memref<256x16xf32, #tpu.memory_space<vmem>>, vector<256x16xf32>
    %dot_general3A_64 = arith.constant dense<0.000000e+00> : vector<4000x16xf32>
    %dot_general3A_65 = tpu.matmul %mul3A, %get3A_63, %dot_general3A_64 {dimension_numbers = #tpu.dot_dimension_numbers<[1], [0], [0], [1], [0, 0, 1, 1], [], []>, transpose_lhs_hint = false} : vector<4000x256xf32>, vector<256x16xf32>, vector<4000x16xf32> -> vector<4000x16xf32>
    %slice3A = vector.extract_strided_slice %gather3A_60 {offsets = [0, 0], sizes = [4000, 64], strides = [1, 1]} : vector<4000x256xf32> to vector<4000x64xf32>
    %mul3A_66 = arith.mulf %slice3A, %add3A_31 : vector<4000x64xf32>
    %get3A_67 = arith.constant 0 : index
    %get3A_68 = arith.constant 0 : index
    %get3A_69 = vector.load %arg11[%get3A_67, %get3A_68] : memref<64x16xf32, #tpu.memory_space<vmem>>, vector<64x16xf32>
    %dot_general3A_70 = arith.constant dense<0.000000e+00> : vector<4000x16xf32>
    %dot_general3A_71 = tpu.matmul %mul3A_66, %get3A_69, %dot_general3A_70 {dimension_numbers = #tpu.dot_dimension_numbers<[1], [0], [0], [1], [0, 0, 1, 1], [], []>, transpose_lhs_hint = false} : vector<4000x64xf32>, vector<64x16xf32>, vector<4000x16xf32> -> vector<4000x16xf32>
    %get3A_72 = arith.constant 0 : index
    %get3A_73 = arith.constant 0 : index
    %get3A_74 = vector.load %arg12[%get3A_72, %get3A_73] : memref<9x32xf32, #tpu.memory_space<vmem>>, vector<9x32xf32>
    %dot_general3A_75 = arith.constant dense<0.000000e+00> : vector<4000x32xf32>
    %dot_general3A_76 = tpu.matmul %get3A_37, %get3A_74, %dot_general3A_75 {dimension_numbers = #tpu.dot_dimension_numbers<[1], [0], [0], [1], [0, 0, 1, 1], [], []>, transpose_lhs_hint = false} : vector<4000x9xf32>, vector<9x32xf32>, vector<4000x32xf32> -> vector<4000x32xf32>
    %iota3A_77 = tpu.iota {dimensions = array<i32: 1>} : vector<4000x32xi32>
    %eq3A_78 = arith.constant 28 : i32
    %eq3A_79 = vector.broadcast %eq3A_78 : i32 to vector<4000x32xi32>
    %eq3A_80 = arith.cmpi eq, %iota3A_77, %eq3A_79 : vector<4000x32xi32>
    %jit3A_81 = arith.constant 1.000000e+00 : f32
    %jit3A_82 = arith.constant 0.000000e+00 : f32
    %broadcast_in_dim3A = vector.broadcast %jit3A_81 : f32 to vector<4000x32xf32>
    %broadcast_in_dim3A_83 = vector.broadcast %jit3A_82 : f32 to vector<4000x32xf32>
    %select_n3A_84 = arith.select %eq3A_80, %broadcast_in_dim3A, %broadcast_in_dim3A_83 : vector<4000x32xi1>, vector<4000x32xf32>
    %concatenate3A = tpu.concatenate %dot_general3A_65, %dot_general3A_71 in 1 : vector<4000x16xf32>, vector<4000x16xf32> -> vector<4000x32xf32>
    %mul3A_85 = arith.mulf %concatenate3A, %dot_general3A_76 : vector<4000x32xf32>
    %add3A_86 = arith.addf %mul3A_85, %select_n3A_84 : vector<4000x32xf32>
    %swap3A = arith.constant 0 : index
    %swap3A_87 = arith.constant 0 : index
    %swap3A_88 = vector.load %arg13[%swap3A, %swap3A_87] : memref<4000x32xf32, #tpu.memory_space<vmem>>, vector<4000x32xf32>
    tpu.vector_store %arg13[%swap3A, %swap3A_87], %add3A_86 {strides = array<i32>} : memref<4000x32xf32, #tpu.memory_space<vmem>>, vector<4000x32xf32>,
    return
  }
  func.func @transform_0(%arg0: i32) -> (i32, i32) {
    %c0_i32 = arith.constant 0 : i32
    %c0_i32_0 = arith.constant 0 : i32
    return %arg0, %c0_i32 : i32, i32
  }
  func.func @transform_1(%arg0: i32) -> (i32, i32) {
    %c0_i32 = arith.constant 0 : i32
    %c0_i32_0 = arith.constant 0 : i32
    return %arg0, %c0_i32 : i32, i32
  }
  func.func @transform_2(%arg0: i32) -> (i32, i32) {
    %c0_i32 = arith.constant 0 : i32
    %c0_i32_0 = arith.constant 0 : i32
    return %arg0, %c0_i32 : i32, i32
  }
  func.func @transform_3(%arg0: i32) -> (i32, i32) {
    %c0_i32 = arith.constant 0 : i32
    %c0_i32_0 = arith.constant 0 : i32
    %c0_i32_1 = arith.constant 0 : i32
    return %c0_i32, %c0_i32_0 : i32, i32
  }
  func.func @transform_4(%arg0: i32) -> (i32, i32) {
    %c0_i32 = arith.constant 0 : i32
    %c0_i32_0 = arith.constant 0 : i32
    %c0_i32_1 = arith.constant 0 : i32
    return %c0_i32, %c0_i32_0 : i32, i32
  }
  func.func @transform_5(%arg0: i32) -> (i32, i32) {
    %c0_i32 = arith.constant 0 : i32
    %c0_i32_0 = arith.constant 0 : i32
    %c0_i32_1 = arith.constant 0 : i32
    return %c0_i32, %c0_i32_0 : i32, i32
  }
  func.func @transform_6(%arg0: i32) -> (i32, i32) {
    %c0_i32 = arith.constant 0 : i32
    %c0_i32_0 = arith.constant 0 : i32
    %c0_i32_1 = arith.constant 0 : i32
    return %c0_i32, %c0_i32_0 : i32, i32
  }
  func.func @transform_7(%arg0: i32) -> (i32, i32) {
    %c0_i32 = arith.constant 0 : i32
    %c0_i32_0 = arith.constant 0 : i32
    %c0_i32_1 = arith.constant 0 : i32
    return %c0_i32, %c0_i32_0 : i32, i32
  }
  func.func @transform_8(%arg0: i32) -> (i32, i32) {
    %c0_i32 = arith.constant 0 : i32
    %c0_i32_0 = arith.constant 0 : i32
    %c0_i32_1 = arith.constant 0 : i32
    return %c0_i32, %c0_i32_0 : i32, i32
  }
  func.func @transform_9(%arg0: i32) -> (i32, i32) {
    %c0_i32 = arith.constant 0 : i32
    %c0_i32_0 = arith.constant 0 : i32
    %c0_i32_1 = arith.constant 0 : i32
    return %c0_i32, %c0_i32_0 : i32, i32
  }
  func.func @transform_10(%arg0: i32) -> (i32, i32) {
    %c0_i32 = arith.constant 0 : i32
    %c0_i32_0 = arith.constant 0 : i32
    %c0_i32_1 = arith.constant 0 : i32
    return %c0_i32, %c0_i32_0 : i32, i32
  }
  func.func @transform_11(%arg0: i32) -> (i32, i32) {
    %c0_i32 = arith.constant 0 : i32
    %c0_i32_0 = arith.constant 0 : i32
    %c0_i32_1 = arith.constant 0 : i32
    return %c0_i32, %c0_i32_0 : i32, i32
  }
  func.func @transform_12(%arg0: i32) -> (i32, i32) {
    %c0_i32 = arith.constant 0 : i32
    %c0_i32_0 = arith.constant 0 : i32
    return %arg0, %c0_i32 : i32, i32
  }
}

module attributes {stable_mosaic.version = 14 : i64} {
  func.func @body(%arg0: memref<2x10240x32xf32, #tpu.memory_space<vmem>>, %arg1: memref<10000x28xf32, #tpu.memory_space<vmem>>) attributes {dimension_semantics = [], scalar_prefetch = 0 : i64, scratch_operands = 0 : i64, tpu.core_type = #tpu.core_type<tc>} {
    %get3A = arith.constant 0 : index
    %get3A_0 = arith.constant 0 : index
    %get3A_1 = arith.constant 0 : index
    %get3A_2 = vector.load %arg0[%get3A, %get3A_0, %get3A_1] : memref<2x10240x32xf32, #tpu.memory_space<vmem>>, vector<2x10240x32xf32>
    %slice3A = vector.extract_strided_slice %get3A_2 {offsets = [0, 0, 0], sizes = [1, 10240, 32], strides = [1, 1, 1]} : vector<2x10240x32xf32> to vector<1x10240x32xf32>
    %squeeze3A = vector.shape_cast %slice3A : vector<1x10240x32xf32> to vector<10240x32xf32>
    %slice3A_3 = vector.extract_strided_slice %get3A_2 {offsets = [1, 0, 0], sizes = [1, 10240, 32], strides = [1, 1, 1]} : vector<2x10240x32xf32> to vector<1x10240x32xf32>
    %squeeze3A_4 = vector.shape_cast %slice3A_3 : vector<1x10240x32xf32> to vector<10240x32xf32>
    %add3A = arith.addf %squeeze3A, %squeeze3A_4 : vector<10240x32xf32>
    %slice3A_5 = vector.extract_strided_slice %add3A {offsets = [0, 28], sizes = [10000, 1], strides = [1, 1]} : vector<10240x32xf32> to vector<10000x1xf32>
    %max3A = arith.constant 1.000000e+00 : f32
    %max3A_6 = vector.broadcast %max3A : f32 to vector<10000x1xf32>
    %max3A_7 = arith.maximumf %slice3A_5, %max3A_6 : vector<10000x1xf32>
    %slice3A_8 = vector.extract_strided_slice %add3A {offsets = [0, 0], sizes = [10000, 28], strides = [1, 1]} : vector<10240x32xf32> to vector<10000x28xf32>
    %div3A = vector.broadcast %max3A_7 : vector<10000x1xf32> to vector<10000x28xf32>
    %div3A_9 = arith.divf %slice3A_8, %div3A : vector<10000x28xf32>
    %swap3A = arith.constant 0 : index
    %swap3A_10 = arith.constant 0 : index
    %swap3A_11 = vector.load %arg1[%swap3A, %swap3A_10] : memref<10000x28xf32, #tpu.memory_space<vmem>>, vector<10000x28xf32>
    tpu.vector_store %arg1[%swap3A, %swap3A_10], %div3A_9 {strides = array<i32>} : memref<10000x28xf32, #tpu.memory_space<vmem>>, vector<10000x28xf32>,
    return
  }
}

</mosaic_0001>

<sc_bundles>
// kernel: kernel.6.cloned.1.call-start
scs
__scs_entry_jumppad:
0x0: {  	(pc) =	sbr.rel $0x88, $3  }
0x1: {  	(tag) =	ssettag $0x0;
	lr =	simm.s32 $0x1  }
0x2: {  	[smem:$0x3F99] =	sst lr;
	_ =	strace $0xD0000000  }
0x3: {  	_ = 	snop  }
0x4: {  	_ = 	snop  }
0x5: {  	_ = 	snop  }
0x6: {  	_ = 	snop  }
0x7: {  	_ = 	snop  }
__scs_overlays_trampoline_lowered:
0x8: {  	[smem:$0x3FA8] =	sst s0  }
0x9: {  	[smem:$0x3FA9] =	sst s1  }
0xa: {  	[smem:$0x3FAA] =	sst s2  }
0xb: {  	[smem:$0x3FAB] =	sst s3  }
0xc: {  	[smem:$0x3FAC] =	sst s4  }
0xd: {  	[smem:$0x3FAD] =	sst s5  }
0xe: {  	[smem:$0x3FAE] =	sst s6  }
0xf: {  	[smem:$0x3FAF] =	sst s7  }
0x10: {  	[smem:$0x3FB0] =	sst s8  }
0x11: {  	[smem:$0x3FB1] =	sst s9;
	s0 =	simm.s32 @!p0 $0x0  }
0x12: {  	s1 =	sld [smem:$0x3F97];
	s0 =	simm.s32 @p0 $0x1  }
0x13: {  	[smem:$0x3FB2] =	sst s0;
	s0 =	simm.s32 @!p1 $0x0  }
0x14: {  	s2 =	sld [smem:$0x3F96];
	s0 =	simm.s32 @p1 $0x1  }
0x15: {  	[smem:$0x3FB3] =	sst s0;
	s0 =	simm.s32 @!p2 $0x0  }
0x16: {  	s3 =	sld [smem:$0x3FDB];
	s0 =	simm.s32 @p2 $0x1  }
0x17: {  	s4 =	simm.s32 $0x1BF5;
	[smem:$0x3FB5] =	sst s0  }
0x18: {  	s0 =	sld [smem:$0x3F98];
	_ =	swait.ge [sflag:s4], $0x0  }
0x19: {  	s7 =	sld [smem:$0x3F99]  }
0x1a: {  	s8 =	sadd.s32 $0xFFFFE003, lr  }
0x1b: {  	s9 =	sadd.s32 $0xFFFFFEF7, lr;
	s5 =	simm.s32 $0xFFFFFFFF;
	p2 =	slt.u32 s8, $0xFFFFF086  }
0x1c: {  	p1 =	slt.u32 s9, $0xF7A;
	s5 =	simm.s32 @!p2 $0x0  }
0x1d: {  	s5 =	simm.s32 @p1 $0x1;
	p0 =	seq.s32 s7, s2  }
0x1e: {  	s7 =	smul.u32 @!p0 $0xF7A, s2;
	p2 =	seq.s32 @!p0 s5, $0x0  }
0x1f: {  	s9 =	smul.u32 $0xF7A, s1;
	s8 =	simm.s32 @!p0 $0x1BF5;
	p2 =	por !p2, p0  }
0x20: {  	[sflag:s8] =	ssyncset.s32 @!p0 $0xFFFFF086;
	s6 =	sadd.s32 @!p0 s3, s7;
	s7 =	simm.s32 @!p0 $0x108  }
0x21: {  	s3 =	sadd.s32 s3, s9;
	s6 =	sadd.s32 @!p0 $0x88, s6;
	s7 =	simm.s32 @p2 $0x1082  }
0x22: {  	[simem:s7], [sflag:s8] =	dma.local @!p0 [hbm:s6], $0xF7A  }
0x23: {  	s9 =	sor.u32 $0xD0000000, s2;
	s6 =	simm.s32 $0x108;
	_ =	swait.ge @!p0 [sflag:s8], $0x0  }
0x24: {  	s3 =	sadd.s32 $0x88, s3;
	s6 =	simm.s32 @!p1 $0x1082;
	[sflag:s4] =	ssyncset.s32 $0xFFFFF086  }
0x25: {  	[simem:s6], [sflag:s4] =	dma.local [hbm:s3], $0xF7A  }
0x26: {  	[smem:$0x3F99] =	sst s1;
	(tag) =	ssettag s2;
	_ =	strace s9  }
0x27: {  	s1 =	sld [smem:$0x3FA9]  }
0x28: {  	s2 =	sld [smem:$0x3FAA]  }
0x29: {  	s4 =	sld [smem:$0x3FAC]  }
0x2a: {  	p0 =	seq.s32 s5, $0x0;
	s5 =	sld [smem:$0x3FAD]  }
0x2b: {  	s6 =	sld [smem:$0x3FAE]  }
0x2c: {  	s7 =	sld [smem:$0x3FAF]  }
0x2d: {  	s3 =	simm.s32 $0x108;
	s8 =	sld [smem:$0x3FB0]  }
0x2e: {  	s3 =	simm.s32 @!p0 $0x1082;
	s9 =	sld [smem:$0x3FB1]  }
0x2f: {  	lr =	sadd.s32 s0, s3;
	s0 =	sld [smem:$0x3FA8]  }
0x30: {  	s3 =	sld [smem:$0x3FAB]  }
0x31: {  	[smem:$0x3FB4] =	sst s10  }
0x32: {  	s10 =	sld [smem:$0x3FB2];
	_ =	sdelay $0x3  }
0x33: {  	p0 =	seq.s32 s10, $0x1;
	s10 =	sld [smem:$0x3FB4];
	_ =	sdelay $0x3  }
0x34: {  	[smem:$0x3FB4] =	sst s10  }
0x35: {  	s10 =	sld [smem:$0x3FB3];
	_ =	sdelay $0x3  }
0x36: {  	p1 =	seq.s32 s10, $0x1;
	s10 =	sld [smem:$0x3FB4];
	_ =	sdelay $0x3  }
0x37: {  	[smem:$0x3FB4] =	sst s10  }
0x38: {  	s10 =	sld [smem:$0x3FB5]  }
0x39: {  	_ = 	snop;
	(pc) =	sbr.ind lr, $3  }
0x3a: {  	_ = 	snop  }
0x3b: {  	_ = 	snop  }
0x3c: {  	p2 =	seq.s32 s10, $0x1;
	s10 =	sld [smem:$0x3FB4]  }
0x3d: {  	_ =	shalt  }
0x3e: {  	_ =	shalt  }
0x3f: {  	_ =	shalt  }
0x40: {  	_ =	shalt  }
0x41: {  	_ =	shalt  }
0x42: {  	_ =	shalt  }
0x43: {  	_ =	shalt  }
0x44: {  	_ =	shalt  }
0x45: {  	_ =	shalt  }
0x46: {  	_ =	shalt  }
0x47: {  	_ =	shalt  }
0x48: {  	_ =	shalt  }
0x49: {  	_ =	shalt  }
0x4a: {  	_ =	shalt  }
0x4b: {  	_ =	shalt  }
0x4c: {  	_ =	shalt  }
0x4d: {  	_ =	shalt  }
0x4e: {  	_ =	shalt  }
0x4f: {  	_ =	shalt  }
0x50: {  	_ =	shalt  }
0x51: {  	_ =	shalt  }
0x52: {  	_ =	shalt  }
0x53: {  	_ =	shalt  }
0x54: {  	_ =	shalt  }
0x55: {  	_ =	shalt  }
0x56: {  	_ =	shalt  }
0x57: {  	_ =	shalt  }
0x58: {  	_ =	shalt  }
0x59: {  	_ =	shalt  }
0x5a: {  	_ =	shalt  }
0x5b: {  	_ =	shalt  }
0x5c: {  	_ =	shalt  }
0x5d: {  	_ =	shalt  }
0x5e: {  	_ =	shalt  }
0x5f: {  	_ =	shalt  }
0x60: {  	_ =	shalt  }
0x61: {  	_ =	shalt  }
0x62: {  	_ =	shalt  }
0x63: {  	_ =	shalt  }
0x64: {  	_ =	shalt  }
0x65: {  	_ =	shalt  }
0x66: {  	_ =	shalt  }
0x67: {  	_ =	shalt  }
0x68: {  	_ =	shalt  }
0x69: {  	_ =	shalt  }
0x6a: {  	_ =	shalt  }
0x6b: {  	_ =	shalt  }
0x6c: {  	_ =	shalt  }
0x6d: {  	_ =	shalt  }
0x6e: {  	_ =	shalt  }
0x6f: {  	_ =	shalt  }
0x70: {  	_ =	shalt  }
0x71: {  	_ =	shalt  }
0x72: {  	_ =	shalt  }
0x73: {  	_ =	shalt  }
0x74: {  	_ =	shalt  }
0x75: {  	_ =	shalt  }
0x76: {  	_ =	shalt  }
0x77: {  	_ =	shalt  }
0x78: {  	_ =	shalt  }
0x79: {  	_ =	shalt  }
0x7a: {  	_ =	shalt  }
0x7b: {  	_ =	shalt  }
0x7c: {  	_ =	shalt  }
0x7d: {  	_ =	shalt  }
0x7e: {  	_ =	shalt  }
0x7f: {  	_ =	shalt  }
0x80: {  	_ =	shalt  }
0x81: {  	_ =	shalt  }
0x82: {  	_ =	shalt  }
0x83: {  	_ =	shalt  }
0x84: {  	_ =	shalt  }
0x85: {  	_ =	shalt  }
0x86: {  	_ =	shalt  }
0x87: {  	_ =	shalt  }
.Lfunc_end0:
.L_simem_size_0:
called_computation_lowered:
.L_overlay_start_0:
0x88: {  	s2 =	sld [smem:$0x3FD9]  }
0x89: {  	s3 =	sld [smem:$0x3FFE];
	_ =	sdelay $0x1  }
0x8a: {  	s1 =	srdreg.scid  }
0x8b: {  	s0 =	sand.u32 $0x1, s1  }
0x8c: {  	s17 =	sshll.u32 s0, $0xA;
	s2 =	sadd.s32 s3, s2  }
0x8d: {  	s2 =	sadd.s32 s2, s17  }
0x8e: {  	[smem:$0x3FC0] =	sst s2  }
0x8f: {  	_ = 	snop  }
0x90: {  	s2 =	sld [smem:$0x3FD0];
	(tm) =	ssettm $0x1  }
0x91: {  	s18 =	sld [smem:$0x3FFB];
	_ =	sdelay $0x3  }
0x92: {  	_ =	strace s18  }
0x93: {  	s3 =	sld [smem:$0x3FFC];
	_ =	sdelay $0x3  }
0x94: {  	_ =	strace s3  }
0x95: {  	s3 =	sld [smem:$0x3FFD];
	_ =	sdelay $0x3  }
0x96: {  	_ =	strace s3  }
0x97: {  	_ =	strace $0x8FFFFFFF  }
0x98: {  	s19 =	sld [smem:$0x3FDB];
	_ =	sdelay $0x1  }
0x99: {  	s4 =	simm.s32 $_scs_section_size  }
0x9a: {  	s5 =	simm.s32 $_size__tile_overlayer_lowered;
	s6 =	simm.s32 $_tile_overlayer_lowered  }
0x9b: {  	s22 =	simm.s32 $0x1BFF;
	s21 =	sshll.u32 s6, $0x1;
	s3 =	sadd.s32 s4, s19  }
0x9c: {  	s7 =	simm.s32 $0x0;
	s20 =	sshll.u32 s5, $0x1;
	s5 =	sadd.s32 s21, s3  }
0x9d: {  	[timem:s7], [sflag:s22] =	dma.local [hbm:s5], s20  }
0x9e: {  	_ =	swait.ge [sflag:s22], s20  }
0x9f: {  	s4 =	ssub.s32 $0x0, s20;
	[sflag:s22] =	ssyncset.done $0x0  }
0xa0: {  	[sflag:s22] =	ssyncadd.s32 s4;
	_ =	sdelay $0x1  }
0xa1: {  	s23 =	simm.s32 $0x1B8B  }
0xa2: {  	_ =	swait.ge [sflag:s23], $0x1  }
0xa3: {  	[sflag:s23] =	ssyncset.done $0x0  }
0xa4: {  	s25 =	simm.s32 $0x1B8E;
	s24 =	sld [smem:$0x3FFE];
	[sflag:s23] =	ssyncadd.s32 $0xFFFFFFFF  }
0xa5: {  	s26 =	simm.s32 $execute0_lowered;
	[smem:$0x3FD2] =	sst s25  }
0xa6: {  	s5 =	sshll.u32 s26, $0x1;
	_ =	strace $0x80000046;
	[dreg:$0x1] =	wrdreg $0xFFFFFFFF  }
0xa7: {  	s28 =	simm.s32 $_size_execute0_lowered;
	s3 =	sadd.s32 s3, s5;
	[dreg:$0x0] =	wrdreg $0x0  }
0xa8: {  	s5 =	sshll.u32 s28, $0x1;
	[dreg:$0x2] =	wrdreg s3  }
0xa9: {  	[dreg:$0x3] =	wrdreg s5  }
0xaa: {  	[dreg:$0x4] =	wrdreg $0xC0  }
0xab: {  	_ =	task [dreg:s7], $0x5FFFF  }
0xac: {  	[dreg:$0x1] =	wrdreg $0xFFFFFFFF  }
0xad: {  	[dreg:$0x0] =	wrdreg $0x60  }
0xae: {  	[dreg:$0x2] =	wrdreg s24  }
0xaf: {  	[dreg:$0x3] =	wrdreg s2  }
0xb0: {  	[dreg:$0x4] =	wrdreg $0x9  }
0xb1: {  	_ =	task.clear_ibuf [dreg:s7], $0x5FFFF;
	_ =	strace $0x90000046  }
0xb2: {  	s29 =	simm.s32 $0x9;
	_ =	strace $0x80000048  }
0xb3: {  	_ =	swait.ge [sflag:s29], $0x1  }
0xb4: {  	[sflag:s29] =	ssyncadd.s32 $0xFFFFFFFF  }
0xb5: {  	_ =	strace $0x90000048  }
0xb6: {  	_ =	sfence  }
0xb7: {  	s30 =	sld [smem:$0x0];
	_ =	sdelay $0x2  }
0xb8: {  	s31 =	sshll.u32 s1, $0xD;
	s1 =	sshrl.u32 s1, $0x2  }
0xb9: {  	s3 =	sand.u32 $0x4000, s31;
	s1 =	sadd.s32 s1, s30  }
0xba: {  	s0 =	sor.u32 s3, s0;
	s1 =	sshll.u32 s1, $0x11  }
0xbb: {  	s0 =	sor.u32 s1, s0  }
0xbc: {  	s0 =	sadd.s32 $0x8F2B, s0  }
0xbd: {  	[sflag:s0] =	ssyncadd.remote.s32 $0x1  }
0xbe: {  	_ =	sfence.sel $0xFFFF  }
0xbf: {  	[dreg:$0x0] =	wrdreg $0xFFFFFFFF;
	(pc) =	sbr.abs _section_cstart, $3  }
0xc0: {  	[dreg:$0x1] =	wrdreg $0xFFFFFFFF  }
0xc1: {  	_ =	task.clear_ibuf [dreg:s7], $0x2FFFF;
	_ =	strace $0x9FFFFFFF  }
0xc2: {  	(tm) =	ssettm $0x7FFFFFFF  }
0xc3: {  	_ =	shalt  }
tec
execute0_lowered:
.L_overlay_start_1:
0x0: {  	(tag) =	ssettag $0x1  }
0x1: {  	s7 =	rddreg [dreg:$0x0];
	s1 =	srdreg.scid  }
0x2: {  	s0 =	stileid.u32;
	s5 =	rddreg [dreg:$0x1];
	s2 =	simm.s32 $0x0  }
0x3: {  	s11 =	simm.s32 $0x1;
	s4 =	sand.u32 $0x1, s1;
	s3 =	sshll.u32 s0, $0x1  }
0x4: {  	s12 =	simm.s32 $0x0;
	s1 =	rddreg [dreg:$0x2];
	s6 =	sor.u32 s4, s3  }
0x5: {  	[smem:$0x7FF] =	sst s2;
	s4 =	ssub.s32 $0x2, s4;
	s8 =	smul.u32 $0x2800, s6  }
0x6: {  	_ =	strace $0x80000047;
	s9 =	sshrl.u32 s4, $0x1;
	s10 =	smul.u32 $0x280, s6  }
0x7: {  	p0 =	seq.s32 s6, $0x1F;
	s9 =	ssub.s32 s4, s9;
	s4 =	simm.s32 $0xA  }
0x8: {  	s3 =	sadd.s32 $0x3C00, s7;
	s8 =	sadd.s32 s8, s7;
	s4 =	simm.s32 @!p0 $0x28  }
0x9: {  	s5 =	sadd.s32 s5, s10;
	s7 =	sadd.s32 $0x56400, s7;
	s10 =	simm.s32 $0x80  }
0xa: {  	s6 =	sadd.s32 $0x8C00, s8;
	s8 =	smax.u32 s9, $0x1;
	s9 =	simm.s32 $0x2  }
.LBB2_1:
0xb: {  	[tilespmem:s2], [sflag:$0x2] =	stream.linear.gather [hbm4b:s5+s2], $0x1400, $0x38;
	[tilespmem:$0x15400] =	vst v63  }
0xc: {  	p1 =	sne.s32 s4, $0x1  }
.Ltmp0:
0xd: {  	_ = 	snop;
	(pc) =	sbr.rel @!p1 .LBB2_3-.Ltmp0, $4  }
0xe: {  	_ =	swait.ge [sflag:s9], $0x1400  }
0xf: {  	s13 =	simm.s32 $0x1400;
	[sflag:s9] =	ssyncset.done $0x0  }
0x10: {  	s14 =	sadd.s32 $0xFFFFFFFF, s4;
	s15 =	simm.s32 $0x0;
	[sflag:s9] =	ssyncadd.s32 $0xFFFFEC00  }
0x11: {  	[tilespmem:s13], [sflag:$0x1] =	stream.indirect.gather [hbm4b:s3+s10], $0x10, s2, s10, $0xb8;
	[tilespmem:$0x15400] =	vst v63  }
.LBB2_2:
0x12: {  	p2 =	sne.s32 s14, $0x1  }
.Ltmp1:
0x13: {  	_ = 	snop;
	(pc) =	sbr.rel @p2 .LBB2_2-.Ltmp1, $4  }
0x14: {  	_ = 	snop  }
0x15: {  	s15 =	sadd.s32 $0x80, s15;
	s13 =	sadd.s32 $0x800, s13  }
0x16: {  	s14 =	sadd.s32 $0xFFFFFFFF, s14  }
0x17: {  	[tilespmem:s13], [sflag:$0x1] =	stream.indirect.gather [hbm4b:s3+s10], $0x10, s15, s10, $0xb8;
	[tilespmem:$0x15400] =	vst v63  }
.LBB2_3:
.Ltmp2:
0x18: {  	(pc) =	sbr.rel @!p1 .LBB2_5-.Ltmp2, $3  }
0x19: {  	_ =	sdelay $0x1  }
0x1a: {  	_ =	swait.ge [sflag:s11], $0x800  }
0x1b: {  	s13 =	sadd.s32 $0xFFFFFFFF, s4;
	[sflag:s11] =	ssyncset.done $0x0  }
.LBB2_4:
0x1c: {  	p1 =	sne.s32 s13, $0x1;
	s13 =	sadd.s32 $0xFFFFFFFF, s13;
	[sflag:s11] =	ssyncadd.s32 $0xFFFFF800  }
.Ltmp3:
0x1d: {  	(pc) =	sbr.rel @p1 .LBB2_4-.Ltmp3, $3  }
0x1e: {  	_ =	sdelay $0x1  }
0x1f: {  	_ =	swait.ge [sflag:s11], $0x800  }
0x20: {  	[sflag:s11] =	ssyncset.done $0x0  }
.LBB2_5:
0x21: {  	[sflag:s11] =	ssyncadd.s32 $0xFFFFF800;
	s13 =	simm.s32 @p0 $0x0;
	s14 =	simm.s32 @p0 $0x1400  }
0x22: {  	[hbm4b:s7+s13] =	stream.linear.scatter @p0 [tilespmem:s14], [sflag:$0x2], $0x5000, $0x38;
	[tilespmem:$0x15400] =	vst v63  }
0x23: {  	s13 =	simm.s32 @p0 $0x2  }
0x24: {  	_ =	swait.ge @p0 [sflag:s13], $0x5000  }
0x25: {  	s12 =	sadd.s32 $0x1, s12;
	s14 =	simm.s32 @!p0 $0x1400;
	[sflag:s13] =	ssyncset.done @p0 $0x0  }
0x26: {  	p1 =	sne.s32 s12, s8;
	[sflag:s13] =	ssyncadd.s32 @p0 $0xFFFFB000;
	s13 =	simm.s32 @!p0 $0x0  }
0x27: {  	[hbm4b:s6+s13] =	stream.linear.scatter @!p0 [tilespmem:s14], [sflag:$0x2], $0x14000, $0x38;
	[tilespmem:$0x15400] =	vst v63  }
.Ltmp4:
0x28: {  	_ = 	snop;
	(pc) =	sbr.rel @p1 .LBB2_1-.Ltmp4, $4  }
0x29: {  	s13 =	simm.s32 @!p0 $0x2  }
0x2a: {  	_ =	swait.ge @!p0 [sflag:s13], $0x14000  }
0x2b: {  	[sflag:s13] =	ssyncset.done @!p0 $0x0  }
0x2c: {  	[sflag:s13] =	ssyncadd.s32 @!p0 $0xFFFEC000  }
0x2d: {  	_ =	sfence.sel $0x180000  }
0x2e: {  	[bflag:$0x0] =	sbarrier.arrive $0xFFFF  }
0x2f: {  	p0 =	sne.s32 s0, $0x0;
	_ =	strace $0x90000047  }
0x30: {  	s0 =	sadd.s32 @!p0 $0x100000, s1;
	[bflag:$0x2] =	sbarrier.arrive $0xFFFF  }
0x31: {  	[sflag:s0] =	ssyncadd.tile.s32 @!p0 $0x1;
	_ =	shalt  }
.Lfunc_end2:
_tile_overlayer_lowered:
.L_overlay_start_2:
0x32: {  	(tag) =	ssettag $0x2  }
0x33: {  	s0 =	rddreg [dreg:$0x0];
	s2 =	stileid.u32  }
0x34: {  	s1 =	rddreg [dreg:$0x1];
	p0 =	sne.s32 s2, $0x0  }
0x35: {  	s3 =	rddreg [dreg:$0x2];
	[bflag:$0x3] =	sbarrier.arrive $0xFFFF;
	s2 =	simm.s32 @!p0 $0x1C02  }
0x36: {  	[timem:s3], [sflag:s2] =	dma.local @!p0 [hbm:s0], s1  }
0x37: {  	s0 =	simm.s32 @!p0 $0x2  }
0x38: {  	_ =	swait.ge @!p0 [sflag:s0], s1  }
0x39: {  	s1 =	ssub.s32 @!p0 $0x0, s1;
	[sflag:s0] =	ssyncset.done @!p0 $0x0  }
0x3a: {  	[sflag:s0] =	ssyncadd.s32 @!p0 s1  }
0x3b: {  	[bflag:$0x3] =	sbarrier.arrive $0xFFFF  }
0x3c: {  	_ =	shalt  }

// kernel: kernel.9.cloned.1.call-start
scs
__scs_entry_jumppad:
0x0: {  	(pc) =	sbr.rel $0x88, $3  }
0x1: {  	(tag) =	ssettag $0x0;
	lr =	simm.s32 $0x1  }
0x2: {  	[smem:$0x3F99] =	sst lr;
	_ =	strace $0xD0000000  }
0x3: {  	_ = 	snop  }
0x4: {  	_ = 	snop  }
0x5: {  	_ = 	snop  }
0x6: {  	_ = 	snop  }
0x7: {  	_ = 	snop  }
__scs_overlays_trampoline_lowered:
0x8: {  	[smem:$0x3FA8] =	sst s0  }
0x9: {  	[smem:$0x3FA9] =	sst s1  }
0xa: {  	[smem:$0x3FAA] =	sst s2  }
0xb: {  	[smem:$0x3FAB] =	sst s3  }
0xc: {  	[smem:$0x3FAC] =	sst s4  }
0xd: {  	[smem:$0x3FAD] =	sst s5  }
0xe: {  	[smem:$0x3FAE] =	sst s6  }
0xf: {  	[smem:$0x3FAF] =	sst s7  }
0x10: {  	[smem:$0x3FB0] =	sst s8  }
0x11: {  	[smem:$0x3FB1] =	sst s9;
	s0 =	simm.s32 @!p0 $0x0  }
0x12: {  	s1 =	sld [smem:$0x3F97];
	s0 =	simm.s32 @p0 $0x1  }
0x13: {  	[smem:$0x3FB2] =	sst s0;
	s0 =	simm.s32 @!p1 $0x0  }
0x14: {  	s2 =	sld [smem:$0x3F96];
	s0 =	simm.s32 @p1 $0x1  }
0x15: {  	[smem:$0x3FB3] =	sst s0;
	s0 =	simm.s32 @!p2 $0x0  }
0x16: {  	s3 =	sld [smem:$0x3FDB];
	s0 =	simm.s32 @p2 $0x1  }
0x17: {  	s4 =	simm.s32 $0x1BF5;
	[smem:$0x3FB5] =	sst s0  }
0x18: {  	s0 =	sld [smem:$0x3F98];
	_ =	swait.ge [sflag:s4], $0x0  }
0x19: {  	s7 =	sld [smem:$0x3F99]  }
0x1a: {  	s8 =	sadd.s32 $0xFFFFE003, lr  }
0x1b: {  	s9 =	sadd.s32 $0xFFFFFEF7, lr;
	s5 =	simm.s32 $0xFFFFFFFF;
	p2 =	slt.u32 s8, $0xFFFFF086  }
0x1c: {  	p1 =	slt.u32 s9, $0xF7A;
	s5 =	simm.s32 @!p2 $0x0  }
0x1d: {  	s5 =	simm.s32 @p1 $0x1;
	p0 =	seq.s32 s7, s2  }
0x1e: {  	s7 =	smul.u32 @!p0 $0xF7A, s2;
	p2 =	seq.s32 @!p0 s5, $0x0  }
0x1f: {  	s9 =	smul.u32 $0xF7A, s1;
	s8 =	simm.s32 @!p0 $0x1BF5;
	p2 =	por !p2, p0  }
0x20: {  	[sflag:s8] =	ssyncset.s32 @!p0 $0xFFFFF086;
	s6 =	sadd.s32 @!p0 s3, s7;
	s7 =	simm.s32 @!p0 $0x108  }
0x21: {  	s3 =	sadd.s32 s3, s9;
	s6 =	sadd.s32 @!p0 $0x88, s6;
	s7 =	simm.s32 @p2 $0x1082  }
0x22: {  	[simem:s7], [sflag:s8] =	dma.local @!p0 [hbm:s6], $0xF7A  }
0x23: {  	s9 =	sor.u32 $0xD0000000, s2;
	s6 =	simm.s32 $0x108;
	_ =	swait.ge @!p0 [sflag:s8], $0x0  }
0x24: {  	s3 =	sadd.s32 $0x88, s3;
	s6 =	simm.s32 @!p1 $0x1082;
	[sflag:s4] =	ssyncset.s32 $0xFFFFF086  }
0x25: {  	[simem:s6], [sflag:s4] =	dma.local [hbm:s3], $0xF7A  }
0x26: {  	[smem:$0x3F99] =	sst s1;
	(tag) =	ssettag s2;
	_ =	strace s9  }
0x27: {  	s1 =	sld [smem:$0x3FA9]  }
0x28: {  	s2 =	sld [smem:$0x3FAA]  }
0x29: {  	s4 =	sld [smem:$0x3FAC]  }
0x2a: {  	p0 =	seq.s32 s5, $0x0;
	s5 =	sld [smem:$0x3FAD]  }
0x2b: {  	s6 =	sld [smem:$0x3FAE]  }
0x2c: {  	s7 =	sld [smem:$0x3FAF]  }
0x2d: {  	s3 =	simm.s32 $0x108;
	s8 =	sld [smem:$0x3FB0]  }
0x2e: {  	s3 =	simm.s32 @!p0 $0x1082;
	s9 =	sld [smem:$0x3FB1]  }
0x2f: {  	lr =	sadd.s32 s0, s3;
	s0 =	sld [smem:$0x3FA8]  }
0x30: {  	s3 =	sld [smem:$0x3FAB]  }
0x31: {  	[smem:$0x3FB4] =	sst s10  }
0x32: {  	s10 =	sld [smem:$0x3FB2];
	_ =	sdelay $0x3  }
0x33: {  	p0 =	seq.s32 s10, $0x1;
	s10 =	sld [smem:$0x3FB4];
	_ =	sdelay $0x3  }
0x34: {  	[smem:$0x3FB4] =	sst s10  }
0x35: {  	s10 =	sld [smem:$0x3FB3];
	_ =	sdelay $0x3  }
0x36: {  	p1 =	seq.s32 s10, $0x1;
	s10 =	sld [smem:$0x3FB4];
	_ =	sdelay $0x3  }
0x37: {  	[smem:$0x3FB4] =	sst s10  }
0x38: {  	s10 =	sld [smem:$0x3FB5]  }
0x39: {  	_ = 	snop;
	(pc) =	sbr.ind lr, $3  }
0x3a: {  	_ = 	snop  }
0x3b: {  	_ = 	snop  }
0x3c: {  	p2 =	seq.s32 s10, $0x1;
	s10 =	sld [smem:$0x3FB4]  }
0x3d: {  	_ =	shalt  }
0x3e: {  	_ =	shalt  }
0x3f: {  	_ =	shalt  }
0x40: {  	_ =	shalt  }
0x41: {  	_ =	shalt  }
0x42: {  	_ =	shalt  }
0x43: {  	_ =	shalt  }
0x44: {  	_ =	shalt  }
0x45: {  	_ =	shalt  }
0x46: {  	_ =	shalt  }
0x47: {  	_ =	shalt  }
0x48: {  	_ =	shalt  }
0x49: {  	_ =	shalt  }
0x4a: {  	_ =	shalt  }
0x4b: {  	_ =	shalt  }
0x4c: {  	_ =	shalt  }
0x4d: {  	_ =	shalt  }
0x4e: {  	_ =	shalt  }
0x4f: {  	_ =	shalt  }
0x50: {  	_ =	shalt  }
0x51: {  	_ =	shalt  }
0x52: {  	_ =	shalt  }
0x53: {  	_ =	shalt  }
0x54: {  	_ =	shalt  }
0x55: {  	_ =	shalt  }
0x56: {  	_ =	shalt  }
0x57: {  	_ =	shalt  }
0x58: {  	_ =	shalt  }
0x59: {  	_ =	shalt  }
0x5a: {  	_ =	shalt  }
0x5b: {  	_ =	shalt  }
0x5c: {  	_ =	shalt  }
0x5d: {  	_ =	shalt  }
0x5e: {  	_ =	shalt  }
0x5f: {  	_ =	shalt  }
0x60: {  	_ =	shalt  }
0x61: {  	_ =	shalt  }
0x62: {  	_ =	shalt  }
0x63: {  	_ =	shalt  }
0x64: {  	_ =	shalt  }
0x65: {  	_ =	shalt  }
0x66: {  	_ =	shalt  }
0x67: {  	_ =	shalt  }
0x68: {  	_ =	shalt  }
0x69: {  	_ =	shalt  }
0x6a: {  	_ =	shalt  }
0x6b: {  	_ =	shalt  }
0x6c: {  	_ =	shalt  }
0x6d: {  	_ =	shalt  }
0x6e: {  	_ =	shalt  }
0x6f: {  	_ =	shalt  }
0x70: {  	_ =	shalt  }
0x71: {  	_ =	shalt  }
0x72: {  	_ =	shalt  }
0x73: {  	_ =	shalt  }
0x74: {  	_ =	shalt  }
0x75: {  	_ =	shalt  }
0x76: {  	_ =	shalt  }
0x77: {  	_ =	shalt  }
0x78: {  	_ =	shalt  }
0x79: {  	_ =	shalt  }
0x7a: {  	_ =	shalt  }
0x7b: {  	_ =	shalt  }
0x7c: {  	_ =	shalt  }
0x7d: {  	_ =	shalt  }
0x7e: {  	_ =	shalt  }
0x7f: {  	_ =	shalt  }
0x80: {  	_ =	shalt  }
0x81: {  	_ =	shalt  }
0x82: {  	_ =	shalt  }
0x83: {  	_ =	shalt  }
0x84: {  	_ =	shalt  }
0x85: {  	_ =	shalt  }
0x86: {  	_ =	shalt  }
0x87: {  	_ =	shalt  }
.Lfunc_end0:
.L_simem_size_0:
called_computation.1_lowered:
.L_overlay_start_0:
0x88: {  	s2 =	sld [smem:$0x3FD9]  }
0x89: {  	s3 =	sld [smem:$0x3FFE];
	_ =	sdelay $0x1  }
0x8a: {  	s1 =	srdreg.scid  }
0x8b: {  	s0 =	sand.u32 $0x1, s1  }
0x8c: {  	s17 =	sshll.u32 s0, $0xA;
	s2 =	sadd.s32 s3, s2  }
0x8d: {  	s2 =	sadd.s32 s2, s17  }
0x8e: {  	[smem:$0x3FC0] =	sst s2  }
0x8f: {  	_ = 	snop  }
0x90: {  	s2 =	sld [smem:$0x3FD0];
	(tm) =	ssettm $0x1  }
0x91: {  	s18 =	sld [smem:$0x3FFB];
	_ =	sdelay $0x3  }
0x92: {  	_ =	strace s18  }
0x93: {  	s3 =	sld [smem:$0x3FFC];
	_ =	sdelay $0x3  }
0x94: {  	_ =	strace s3  }
0x95: {  	s3 =	sld [smem:$0x3FFD];
	_ =	sdelay $0x3  }
0x96: {  	_ =	strace s3  }
0x97: {  	_ =	strace $0x8FFFFFFF  }
0x98: {  	s19 =	sld [smem:$0x3FDB];
	_ =	sdelay $0x1  }
0x99: {  	s4 =	simm.s32 $_scs_section_size  }
0x9a: {  	s5 =	simm.s32 $_size__tile_overlayer_lowered;
	s6 =	simm.s32 $_tile_overlayer_lowered  }
0x9b: {  	s22 =	simm.s32 $0x1BFF;
	s21 =	sshll.u32 s6, $0x1;
	s3 =	sadd.s32 s4, s19  }
0x9c: {  	s7 =	simm.s32 $0x0;
	s20 =	sshll.u32 s5, $0x1;
	s5 =	sadd.s32 s21, s3  }
0x9d: {  	[timem:s7], [sflag:s22] =	dma.local [hbm:s5], s20  }
0x9e: {  	_ =	swait.ge [sflag:s22], s20  }
0x9f: {  	s4 =	ssub.s32 $0x0, s20;
	[sflag:s22] =	ssyncset.done $0x0  }
0xa0: {  	[sflag:s22] =	ssyncadd.s32 s4;
	_ =	sdelay $0x1  }
0xa1: {  	s23 =	simm.s32 $0x1B8B  }
0xa2: {  	_ =	swait.ge [sflag:s23], $0x1  }
0xa3: {  	[sflag:s23] =	ssyncset.done $0x0  }
0xa4: {  	s25 =	simm.s32 $0x1B8E;
	s24 =	sld [smem:$0x3FFE];
	[sflag:s23] =	ssyncadd.s32 $0xFFFFFFFF  }
0xa5: {  	s26 =	simm.s32 $execute0_lowered;
	[smem:$0x3FD2] =	sst s25  }
0xa6: {  	s5 =	sshll.u32 s26, $0x1;
	_ =	strace $0x80000049;
	[dreg:$0x1] =	wrdreg $0xFFFFFFFF  }
0xa7: {  	s28 =	simm.s32 $_size_execute0_lowered;
	s3 =	sadd.s32 s3, s5;
	[dreg:$0x0] =	wrdreg $0x0  }
0xa8: {  	s5 =	sshll.u32 s28, $0x1;
	[dreg:$0x2] =	wrdreg s3  }
0xa9: {  	[dreg:$0x3] =	wrdreg s5  }
0xaa: {  	[dreg:$0x4] =	wrdreg $0xC0  }
0xab: {  	_ =	task [dreg:s7], $0x5FFFF  }
0xac: {  	[dreg:$0x1] =	wrdreg $0xFFFFFFFF  }
0xad: {  	[dreg:$0x0] =	wrdreg $0x60  }
0xae: {  	[dreg:$0x2] =	wrdreg s24  }
0xaf: {  	[dreg:$0x3] =	wrdreg s2  }
0xb0: {  	[dreg:$0x4] =	wrdreg $0x24000  }
0xb1: {  	[dreg:$0x5] =	wrdreg $0x9  }
0xb2: {  	_ =	task.clear_ibuf [dreg:s7], $0x6FFFF;
	_ =	strace $0x90000049  }
0xb3: {  	s29 =	simm.s32 $0x9;
	_ =	strace $0x8000004B  }
0xb4: {  	_ =	swait.ge [sflag:s29], $0x1  }
0xb5: {  	[sflag:s29] =	ssyncadd.s32 $0xFFFFFFFF  }
0xb6: {  	_ =	strace $0x9000004B  }
0xb7: {  	_ =	sfence  }
0xb8: {  	s30 =	sld [smem:$0x0];
	_ =	sdelay $0x2  }
0xb9: {  	s31 =	sshll.u32 s1, $0xD;
	s1 =	sshrl.u32 s1, $0x2  }
0xba: {  	s3 =	sand.u32 $0x4000, s31;
	s1 =	sadd.s32 s1, s30  }
0xbb: {  	s0 =	sor.u32 s3, s0;
	s1 =	sshll.u32 s1, $0x11  }
0xbc: {  	s0 =	sor.u32 s1, s0  }
0xbd: {  	s0 =	sadd.s32 $0x8F2B, s0  }
0xbe: {  	[sflag:s0] =	ssyncadd.remote.s32 $0x1  }
0xbf: {  	_ =	sfence.sel $0xFFFF  }
0xc0: {  	[dreg:$0x0] =	wrdreg $0xFFFFFFFF;
	(pc) =	sbr.abs _section_cstart, $3  }
0xc1: {  	[dreg:$0x1] =	wrdreg $0xFFFFFFFF  }
0xc2: {  	_ =	task.clear_ibuf [dreg:s7], $0x2FFFF;
	_ =	strace $0x9FFFFFFF  }
0xc3: {  	(tm) =	ssettm $0x7FFFFFFF  }
tec
execute0_lowered:
.L_overlay_start_1:
0x0: {  	(tag) =	ssettag $0x1  }
0x1: {  	s5 =	rddreg [dreg:$0x0]  }
0x2: {  	s2 =	rddreg [dreg:$0x1]  }
0x3: {  	s3 =	rddreg [dreg:$0x2]  }
0x4: {  	s1 =	stileid.u32;
	s4 =	srdreg.scid  }
0x5: {  	s0 =	rddreg [dreg:$0x3];
	s15 =	simm.s32 $0x0;
	s7 =	smul.u32 $0x5000, s1  }
0x6: {  	s6 =	sand.u32 $0x1, s4;
	s4 =	simm.s32 $0x0;
	s10 =	smul.u32 $0xA000, s1  }
0x7: {  	s8 =	sshll.u32 s1, $0x1;
	s31 =	sshll.u32 s1, $0x6;
	s9 =	smul.u32 $0x50000, s6  }
0x8: {  	[smem:$0x7FF] =	sst s4;
	s8 =	sor.u32 s6, s8;
	s12 =	ssub.s32 $0x2, s6  }
0x9: {  	s13 =	smul.u32 $0x5000, s6;
	s6 =	sor.u32 $0x1C01, s31;
	_ =	strace $0x8000004A  }
0xa: {  	s11 =	smul.u32 $0x280, s8;
	s10 =	sadd.s32 s10, s5;
	s30 =	sshrl.u32 s12, $0x1  }
0xb: {  	p0 =	seq.s32 s8, $0x1F;
	s14 =	sadd.s32 s7, s3;
	s9 =	sadd.s32 s7, s9  }
0xc: {  	s12 =	ssub.s32 s12, s30;
	s10 =	sadd.s32 s13, s10;
	s13 =	simm.s32 $0x1400  }
0xd: {  	s9 =	sshrl.u32 s9, $0x3;
	s11 =	sadd.s32 s11, s5;
	s10 =	sadd.s32 $0x53DE00, s10  }
0xe: {  	s9 =	sadd.s32 s9, s5;
	s5 =	simm.s32 $0xA;
	s7 =	sadd.s32 $0x538E00, s11  }
0xf: {  	s11 =	sshrl.u32 s14, $0x3;
	s14 =	simm.s32 $0x80;
	s5 =	simm.s32 @!p0 $0x28  }
0x10: {  	s8 =	sadd.s32 $0x3C00, s9;
	s9 =	smax.u32 s12, $0x1;
	s12 =	simm.s32 $0x1  }
.LBB2_1:
0x11: {  	[spmem:s11], [sflag:s6] =	dma.local [hbm:s2], $0xA00  }
0x12: {  	_ =	swait.ge [sflag:s12], $0xA00  }
0x13: {  	[sflag:s12] =	ssyncset.done $0x0  }
0x14: {  	[sflag:s12] =	ssyncadd.s32 $0xFFFFF600  }
0x15: {  	[bflag:$0x0] =	sbarrier.arrive $0xFFFF  }
0x16: {  	[tilespmem:s4], [sflag:$0x1] =	stream.linear.gather [hbm4b:s7+s4], $0x1400, $0x38;
	[tilespmem:$0x7400] =	vst v63  }
0x17: {  	_ =	swait.ge [sflag:s12], $0x1400  }
0x18: {  	[sflag:s12] =	ssyncset.done $0x0  }
0x19: {  	[sflag:s12] =	ssyncadd.s32 $0xFFFFEC00  }
0x1a: {  	[tilespmem:s13], [sflag:$0x1] =	stream.linear.gather [hbm4b:s10+s4], $0x1000, $0x38;
	[tilespmem:$0x7400] =	vst v63  }
0x1b: {  	p0 =	sne.s32 s5, $0x1;
	_ =	swait.ge [sflag:s12], $0x1000  }
.Ltmp0:
0x1c: {  	[sflag:s12] =	ssyncset.done $0x0;
	(pc) =	sbr.rel @!p0 .LBB2_3-.Ltmp0, $4  }
0x1d: {  	[sflag:s12] =	ssyncadd.s32 $0xFFFFF000  }
0x1e: {  	[spmem:s3] =	stream.indirect.scatter.add.f32 [tilespmem:s13], [sflag:$0x1], $0x20, s4, s14, $0xb8;
	[tilespmem:$0x7400] =	vst v63  }
0x1f: {  	s16 =	sadd.s32 $0xFFFFFFFF, s5;
	_ =	swait.ge [sflag:s12], $0x1000  }
0x20: {  	s17 =	simm.s32 $0x0;
	s18 =	smov.u32 s10;
	[sflag:s12] =	ssyncset.done $0x0  }
.LBB2_2:
0x21: {  	[sflag:s12] =	ssyncadd.s32 $0xFFFFF000;
	s17 =	sadd.s32 $0x80, s17;
	s18 =	sadd.s32 $0x200, s18  }
0x22: {  	[tilespmem:s13], [sflag:$0x1] =	stream.linear.gather [hbm4b:s18+s4], $0x1000, $0x38;
	[tilespmem:$0x7400] =	vst v63  }
0x23: {  	p0 =	sne.s32 s16, $0x1;
	s16 =	sadd.s32 $0xFFFFFFFF, s16;
	_ =	swait.ge [sflag:s12], $0x1000  }
.Ltmp1:
0x24: {  	[sflag:s12] =	ssyncset.done $0x0;
	(pc) =	sbr.rel @p0 .LBB2_2-.Ltmp1, $4  }
0x25: {  	[sflag:s12] =	ssyncadd.s32 $0xFFFFF000  }
0x26: {  	[spmem:s3] =	stream.indirect.scatter.add.f32 [tilespmem:s13], [sflag:$0x1], $0x20, s17, s14, $0xb8;
	[tilespmem:$0x7400] =	vst v63  }
0x27: {  	_ =	swait.ge [sflag:s12], $0x1000  }
0x28: {  	[sflag:s12] =	ssyncset.done $0x0  }
.LBB2_3:
0x29: {  	s15 =	sadd.s32 $0x1, s15  }
0x2a: {  	[sflag:s12] =	ssyncadd.s32 $0xFFFFF000;
	p0 =	sne.s32 s15, s9  }
.Ltmp2:
0x2b: {  	[bflag:$0x0] =	sbarrier.arrive $0xFFFF;
	(pc) =	sbr.rel @p0 .LBB2_1-.Ltmp2, $4  }
0x2c: {  	[hbm:s8], [sflag:s6] =	dma.local [spmem:s11], $0xA00  }
0x2d: {  	_ =	swait.ge [sflag:s12], $0xA00  }
0x2e: {  	[sflag:s12] =	ssyncset.done $0x0  }
0x2f: {  	[sflag:s12] =	ssyncadd.s32 $0xFFFFF600  }
0x30: {  	_ =	sfence.sel $0x180000  }
0x31: {  	[bflag:$0x0] =	sbarrier.arrive $0xFFFF  }
0x32: {  	p0 =	sne.s32 s1, $0x0;
	_ =	strace $0x9000004A  }
0x33: {  	s0 =	sadd.s32 @!p0 $0x100000, s0;
	[bflag:$0x2] =	sbarrier.arrive $0xFFFF  }
0x34: {  	[sflag:s0] =	ssyncadd.tile.s32 @!p0 $0x1;
	_ =	shalt  }
.Lfunc_end2:
_tile_overlayer_lowered:
.L_overlay_start_2:
0x35: {  	(tag) =	ssettag $0x2  }
0x36: {  	s0 =	rddreg [dreg:$0x0];
	s2 =	stileid.u32  }
0x37: {  	s1 =	rddreg [dreg:$0x1];
	p0 =	sne.s32 s2, $0x0  }
0x38: {  	s3 =	rddreg [dreg:$0x2];
	[bflag:$0x3] =	sbarrier.arrive $0xFFFF;
	s2 =	simm.s32 @!p0 $0x1C01  }
0x39: {  	[timem:s3], [sflag:s2] =	dma.local @!p0 [hbm:s0], s1  }
0x3a: {  	s0 =	simm.s32 @!p0 $0x1  }
0x3b: {  	_ =	swait.ge @!p0 [sflag:s0], s1  }
0x3c: {  	s1 =	ssub.s32 @!p0 $0x0, s1;
	[sflag:s0] =	ssyncset.done @!p0 $0x0  }
0x3d: {  	[sflag:s0] =	ssyncadd.s32 @!p0 s1  }
0x3e: {  	[bflag:$0x3] =	sbarrier.arrive $0xFFFF  }
0x3f: {  	_ =	shalt  }

</sc_bundles>
